<compile_context>
chip_gen: v7x
topology: tpu7x:2x2x1
jax: 0.10.2.dev20260603
libtpu: 0.0.44.dev20260713+nightly
codegen_flags: <defaults>
</compile_context>

<pallas_src>
import functools

import jax
import jax.numpy as jnp
from jax import lax
from jax.experimental import pallas as pl
from jax.experimental.pallas import tpu as pltpu
from jax.experimental.pallas import tpu_sc as plsc

B = 4096
L = 200
C = 100001
T1 = 12
BASE = 16
N = B * L

_TW = 4096
_TGRID = -(-C // _TW)
CP = _TGRID * _TW

_info = plsc.get_sparse_core_info()
NC, NS, LANES = _info.num_cores, _info.num_subcores, _info.num_lanes
NW = NC * NS
TOK_PER_W = N // NW
CHUNK = 1024
NCHUNK = TOK_PER_W // CHUNK


@functools.partial(
    pl.kernel,
    mesh=plsc.VectorSubcoreMesh(core_axis_name="c", subcore_axis_name="s"),
    out_type=jax.ShapeDtypeStruct((2 * N, BASE), jnp.float32),
    compiler_params=pltpu.CompilerParams(
        needs_layout_passes=False, use_tc_tiling_on_sc=False
    ),
    scratch_types=[
        pltpu.VMEM((2, 3, CHUNK), jnp.int32),
        pltpu.VMEM((2, 2 * CHUNK), jnp.int32),
        pltpu.VMEM((2, 2 * CHUNK, BASE), jnp.float32),
        pltpu.SemaphoreType.DMA,
        pltpu.SemaphoreType.DMA,
        pltpu.SemaphoreType.DMA,
        pltpu.SemaphoreType.DMA,
    ],
)
def _sc_gather(table_hbm, t1_hbm, t2_hbm, item_hbm, out_hbm,
               tin, idx2, rows2, sem_in0, sem_in1, sem_g, sem_out):
    wid = lax.axis_index("s") * NC + lax.axis_index("c")
    lane = lax.iota(jnp.int32, LANES)
    p0 = (lane & 3) * 256 + (lane >> 2)

    def in_copies(k, buf):
        cid = wid * NCHUNK + k
        pbase = (cid >> 2) * B + (cid & 3) * 256
        sem_in = sem_in1 if buf else sem_in0
        out = []
        for g in range(4):
            run = pl.ds(pbase + g * 1024, 256)
            for ai, src in enumerate((t1_hbm, t2_hbm, item_hbm)):
                out.append(pltpu.make_async_copy(
                    src.at[run], tin.at[buf, ai, pl.ds(g * 256, 256)], sem_in))
        return out

    def out_copy(k, buf):
        cid = wid * NCHUNK + k
        return pltpu.make_async_copy(
            rows2.at[buf], out_hbm.at[pl.ds(2 * cid * CHUNK, 2 * CHUNK)],
            sem_out)

    def gather_copy(buf):
        return pltpu.make_async_copy(
            table_hbm.at[idx2.at[buf]], rows2.at[buf], sem_g)

    def build_idx(buf):
        def vec_body(j, carry2):
            pos_in = p0 + 4 * j
            it8 = plsc.load_gather(tin.at[buf, 2], [pos_in]) * 8
            mk = plsc.load_gather(tin.at[buf, 0], [pos_in])
            wk = plsc.load_gather(tin.at[buf, 1], [pos_in]) + T1
            m_idx = (mk >> 3) * (CP * 8) + it8 + (mk & 7)
            w_idx = (wk >> 3) * (CP * 8) + it8 + (wk & 7)
            pos = lane * 2 + j * (2 * LANES)
            plsc.store_scatter(idx2.at[buf], [pos], m_idx)
            plsc.store_scatter(idx2.at[buf], [pos + 1], w_idx)
            return carry2

        lax.fori_loop(0, CHUNK // LANES, vec_body, 0)

    for h in in_copies(0, 0):
        h.start()

    def loop_body(i, carry):
        for par in range(2):
            k = 2 * i + par
            buf = par
            nbuf = 1 - par

            @pl.when(k < NCHUNK)
            def _():
                @pl.when(k + 1 < NCHUNK)
                def _():
                    for h in in_copies(k + 1, nbuf):
                        h.start()

                for h in in_copies(k, buf):
                    h.wait()

                @pl.when(k >= 2)
                def _():
                    out_copy(k - 2, buf).wait()

                build_idx(buf)
                gather_copy(buf).start()

                @pl.when(k >= 1)
                def _():
                    gather_copy(nbuf).wait()
                    out_copy(k - 1, nbuf).start()

        return carry

    lax.fori_loop(0, (NCHUNK + 1) // 2, loop_body, 0)
    last = NCHUNK - 1
    gather_copy(last & 1).wait()
    out_copy(last, last & 1).start()
    out_copy(last - 1, 1 - (last & 1)).wait()
    out_copy(last, last & 1).wait()


def _tc_transpose_body(m_ref, w_ref, o_ref):
    o_ref[0] = m_ref[0:128, :].T
    o_ref[1] = jnp.concatenate([m_ref[128:192, :], w_ref[0:64, :]], axis=0).T
    o_ref[2, :, 0:16] = w_ref[64:80, :].T


_tc_transpose = pl.pallas_call(
    _tc_transpose_body,
    grid=(_TGRID,),
    in_specs=[
        pl.BlockSpec((192, _TW), lambda p: (0, p)),
        pl.BlockSpec((80, _TW), lambda p: (0, p)),
    ],
    out_specs=pl.BlockSpec((3, _TW, 128), lambda p: (0, p, 0)),
    out_shape=jax.ShapeDtypeStruct((3, CP, 128), jnp.float32),
)


def _tc_relayout_body(x_ref, o_ref):
    for i in range(8):
        z = x_ref[i].T
        for g in range(4):
            o_ref[i, :, pl.ds(g * 1024, 1024)] = z[32 * g:32 * (g + 1), :]


_tc_relayout = pl.pallas_call(
    _tc_relayout_body,
    grid=(L // 8,),
    in_specs=[pl.BlockSpec((8, 1024, 128), lambda l: (l, 0, 0))],
    out_specs=pl.BlockSpec((8, 2 * BASE, B), lambda l: (l, 0, 0)),
    out_shape=jax.ShapeDtypeStruct((L, 2 * BASE, B), jnp.float32),
)


def kernel(log_seqs, time1_seqs, time2_seqs, month_pop_table, week_pop_table):
    table = _tc_transpose(month_pop_table, week_pop_table).reshape(3 * CP * 8, BASE)
    t1 = time1_seqs.T.reshape(-1).astype(jnp.int32)
    t2 = time2_seqs.T.reshape(-1).astype(jnp.int32)
    item = log_seqs.T.reshape(-1).astype(jnp.int32)
    rows = _sc_gather(table, t1, t2, item)
    planes = _tc_relayout(rows.reshape(L, 1024, 128))
    return planes.transpose(2, 0, 1)

# --- scband reference (transcript-rebuilt; emitter-appended) ---
"""Pipeline reference for scband-popularity-encoding-1735166788546 (READ-ONLY COPY).

The authoritative reference and input builder live on the scoring server;
editing this copy changes nothing except your own understanding.
"""

import jax, jax.numpy as jnp
import numpy as np

B = 4096
L = 200
INPUT1 = 16
INPUT2 = 16
BASE1 = 16
BASE2 = 16
VOCAB = 100000
T1 = 12
T2 = 5


def setup_inputs(seed: int = 0) -> dict:
    key = jax.random.key(seed)
    k1, k2, k3, k4, k5 = jax.random.split(key, 5)
    log_seqs = jax.random.randint(k1, (B, L), 0, VOCAB)
    time1_seqs = jax.random.randint(k2, (B, L), 0, T1)
    time2_seqs = jax.random.randint(k3, (B, L), 0, T2)
    # buffers: popularity tables, column 0 is the zero/pad column (we fill random here;
    # the gather math is identical regardless of table contents)
    month_pop_table = jax.random.uniform(k4, (T1 * BASE1, VOCAB + 1), dtype=jnp.float32)
    week_pop_table = jax.random.uniform(k5, (T2 * BASE2, VOCAB + 1), dtype=jnp.float32)
    return {
        "log_seqs": log_seqs,
        "time1_seqs": time1_seqs,
        "time2_seqs": time2_seqs,
        "month_pop_table": month_pop_table,
        "week_pop_table": week_pop_table,
    }


def reference(log_seqs, time1_seqs, time2_seqs, month_pop_table, week_pop_table):
    flat_log = log_seqs.reshape(-1)
    # month popularity gather
    month_rows = (time1_seqs.reshape(-1)[:, None] * BASE1 + jnp.arange(INPUT1)).reshape(-1)
    month_cols = jnp.repeat(flat_log, INPUT1)
    month_pop = month_pop_table[month_rows, month_cols].reshape(B, L, INPUT1)
    # week popularity gather
    week_rows = (time2_seqs.reshape(-1)[:, None] * BASE2 + jnp.arange(INPUT2)).reshape(-1)
    week_cols = jnp.repeat(flat_log, INPUT2)
    week_pop = week_pop_table[week_rows, week_cols].reshape(B, L, INPUT2)
    return jnp.concatenate((month_pop, week_pop), axis=2)

if __name__ == "__main__":
    import jax
    _d = setup_inputs()
    print(jax.jit(kernel)(*tuple(_d.values())))

</pallas_src>

<mosaic_0001>
#map = affine_map<(d0, d1) -> (0, 0)>
#map1 = affine_map<(d0, d1) -> (0)>
module attributes {stable_mosaic.version = 14 : i64} {
  func.func @_sc_gather(%arg0: i32, %arg1: i32, %arg2: memref<2457600x16xf32, #tpu.memory_space<hbm>>, %arg3: memref<819200xi32, #tpu.memory_space<hbm>>, %arg4: memref<819200xi32, #tpu.memory_space<hbm>>, %arg5: memref<819200xi32, #tpu.memory_space<hbm>>, %arg6: memref<1638400x16xf32, #tpu.memory_space<hbm>>, %arg7: memref<2x3x1024xi32, #tpu.memory_space<vmem>>, %arg8: memref<2x2048xi32, #tpu.memory_space<vmem>>, %arg9: memref<2x2048x16xf32, #tpu.memory_space<vmem>>, %arg10: memref<!tpu.dma_semaphore, #tpu.memory_space<semaphore_mem>>, %arg11: memref<!tpu.dma_semaphore, #tpu.memory_space<semaphore_mem>>, %arg12: memref<!tpu.dma_semaphore, #tpu.memory_space<semaphore_mem>>, %arg13: memref<!tpu.dma_semaphore, #tpu.memory_space<semaphore_mem>>) attributes {dimension_semantics = [#tpu.dimension_semantics<core_parallel>, #tpu.dimension_semantics<subcore_parallel>], iteration_bounds = array<i64: 2, 16>, scalar_prefetch = 0 : i64, scratch_operands = 7 : i64, tpu.core_type = #tpu.core_type<sc_vector_subcore>, window_params = [{transform_indices = #map}, {transform_indices = #map1}, {transform_indices = #map1}, {transform_indices = #map1}, {transform_indices = #map}]} {
    %mul3A = arith.constant 2 : i32
    %mul3A_0 = arith.muli %arg1, %mul3A : i32
    %add3A = arith.addi %mul3A_0, %arg0 : i32
    %iota3A = tpu.iota {dimensions = array<i32: 0>} : vector<16xi32>
    %and3A = arith.constant 3 : i32
    %and3A_1 = vector.broadcast %and3A : i32 to vector<16xi32>
    %and3A_2 = arith.andi %iota3A, %and3A_1 : vector<16xi32>
    %mul3A_3 = arith.constant 256 : i32
    %mul3A_4 = vector.broadcast %mul3A_3 : i32 to vector<16xi32>
    %mul3A_5 = arith.muli %and3A_2, %mul3A_4 : vector<16xi32>
    %shift_right_arithmetic3A = arith.constant 2 : i32
    %shift_right_arithmetic3A_6 = vector.broadcast %shift_right_arithmetic3A : i32 to vector<16xi32>
    %shift_right_arithmetic3A_7 = arith.shrsi %iota3A, %shift_right_arithmetic3A_6 : vector<16xi32>
    %add3A_8 = arith.addi %mul3A_5, %shift_right_arithmetic3A_7 : vector<16xi32>
    %mul3A_9 = arith.constant 25 : i32
    %mul3A_10 = arith.muli %add3A, %mul3A_9 : i32
    %add3A_11 = arith.constant 0 : i32
    %add3A_12 = arith.addi %mul3A_10, %add3A_11 : i32
    %shift_right_arithmetic3A_13 = arith.constant 2 : i32
    %shift_right_arithmetic3A_14 = arith.shrsi %add3A_12, %shift_right_arithmetic3A_13 : i32
    %mul3A_15 = arith.constant 4096 : i32
    %mul3A_16 = arith.muli %shift_right_arithmetic3A_14, %mul3A_15 : i32
    %and3A_17 = arith.constant 3 : i32
    %and3A_18 = arith.andi %add3A_12, %and3A_17 : i32
    %mul3A_19 = arith.constant 256 : i32
    %mul3A_20 = arith.muli %and3A_18, %mul3A_19 : i32
    %add3A_21 = arith.addi %mul3A_16, %mul3A_20 : i32
    %add3A_22 = arith.constant 0 : i32
    %add3A_23 = arith.addi %add3A_21, %add3A_22 : i32
    %add3A_24 = arith.constant 1024 : i32
    %add3A_25 = arith.addi %add3A_21, %add3A_24 : i32
    %add3A_26 = arith.constant 2048 : i32
    %add3A_27 = arith.addi %add3A_21, %add3A_26 : i32
    %add3A_28 = arith.constant 3072 : i32
    %add3A_29 = arith.addi %add3A_21, %add3A_28 : i32
    %dma_start3A = arith.constant 0 : i32
    %dma_start3A_30 = arith.constant 0 : i32
    %dma_start3A_31 = arith.constant 0 : i32
    %dma_start3A_32 = tpu.memref_slice %arg7[%dma_start3A, %dma_start3A_30, %dma_start3A_31] : memref<2x3x1024xi32, #tpu.memory_space<vmem>> -> memref<1x1x256xi32, #tpu.memory_space<vmem>>
    %dma_start3A_33 = tpu.memref_squeeze %dma_start3A_32 : memref<1x1x256xi32, #tpu.memory_space<vmem>> -> memref<256xi32, #tpu.memory_space<vmem>>
    %dma_start3A_34 = tpu.memref_slice %arg3[%add3A_23] : memref<819200xi32, #tpu.memory_space<hbm>> -> memref<256xi32, #tpu.memory_space<hbm>>
    %dma_start3A_35 = arith.constant 0 : i32
    %dma_start3A_36 = tpu.memref_slice %arg7[%dma_start3A, %dma_start3A_30, %dma_start3A_35] : memref<2x3x1024xi32, #tpu.memory_space<vmem>> -> memref<1x1x256xi32, #tpu.memory_space<vmem>>
    %dma_start3A_37 = tpu.memref_squeeze %dma_start3A_36 : memref<1x1x256xi32, #tpu.memory_space<vmem>> -> memref<256xi32, #tpu.memory_space<vmem>>
    %dma_start3A_38 = tpu.memref_slice %arg3[%add3A_23] : memref<819200xi32, #tpu.memory_space<hbm>> -> memref<256xi32, #tpu.memory_space<hbm>>
    tpu.enqueue_dma source(%dma_start3A_38 : memref<256xi32, #tpu.memory_space<hbm>>) target(%dma_start3A_37 : memref<256xi32, #tpu.memory_space<vmem>>) target_semaphore(%arg10 : memref<!tpu.dma_semaphore, #tpu.memory_space<semaphore_mem>>)
    %dma_start3A_39 = arith.constant 0 : i32
    %dma_start3A_40 = arith.constant 1 : i32
    %dma_start3A_41 = arith.constant 0 : i32
    %dma_start3A_42 = tpu.memref_slice %arg7[%dma_start3A_39, %dma_start3A_40, %dma_start3A_41] : memref<2x3x1024xi32, #tpu.memory_space<vmem>> -> memref<1x1x256xi32, #tpu.memory_space<vmem>>
    %dma_start3A_43 = tpu.memref_squeeze %dma_start3A_42 : memref<1x1x256xi32, #tpu.memory_space<vmem>> -> memref<256xi32, #tpu.memory_space<vmem>>
    %dma_start3A_44 = tpu.memref_slice %arg4[%add3A_23] : memref<819200xi32, #tpu.memory_space<hbm>> -> memref<256xi32, #tpu.memory_space<hbm>>
    %dma_start3A_45 = arith.constant 0 : i32
    %dma_start3A_46 = tpu.memref_slice %arg7[%dma_start3A_39, %dma_start3A_40, %dma_start3A_45] : memref<2x3x1024xi32, #tpu.memory_space<vmem>> -> memref<1x1x256xi32, #tpu.memory_space<vmem>>
    %dma_start3A_47 = tpu.memref_squeeze %dma_start3A_46 : memref<1x1x256xi32, #tpu.memory_space<vmem>> -> memref<256xi32, #tpu.memory_space<vmem>>
    %dma_start3A_48 = tpu.memref_slice %arg4[%add3A_23] : memref<819200xi32, #tpu.memory_space<hbm>> -> memref<256xi32, #tpu.memory_space<hbm>>
    tpu.enqueue_dma source(%dma_start3A_48 : memref<256xi32, #tpu.memory_space<hbm>>) target(%dma_start3A_47 : memref<256xi32, #tpu.memory_space<vmem>>) target_semaphore(%arg10 : memref<!tpu.dma_semaphore, #tpu.memory_space<semaphore_mem>>)
    %dma_start3A_49 = arith.constant 0 : i32
    %dma_start3A_50 = arith.constant 2 : i32
    %dma_start3A_51 = arith.constant 0 : i32
    %dma_start3A_52 = tpu.memref_slice %arg7[%dma_start3A_49, %dma_start3A_50, %dma_start3A_51] : memref<2x3x1024xi32, #tpu.memory_space<vmem>> -> memref<1x1x256xi32, #tpu.memory_space<vmem>>
    %dma_start3A_53 = tpu.memref_squeeze %dma_start3A_52 : memref<1x1x256xi32, #tpu.memory_space<vmem>> -> memref<256xi32, #tpu.memory_space<vmem>>
    %dma_start3A_54 = tpu.memref_slice %arg5[%add3A_23] : memref<819200xi32, #tpu.memory_space<hbm>> -> memref<256xi32, #tpu.memory_space<hbm>>
    %dma_start3A_55 = arith.constant 0 : i32
    %dma_start3A_56 = tpu.memref_slice %arg7[%dma_start3A_49, %dma_start3A_50, %dma_start3A_55] : memref<2x3x1024xi32, #tpu.memory_space<vmem>> -> memref<1x1x256xi32, #tpu.memory_space<vmem>>
    %dma_start3A_57 = tpu.memref_squeeze %dma_start3A_56 : memref<1x1x256xi32, #tpu.memory_space<vmem>> -> memref<256xi32, #tpu.memory_space<vmem>>
    %dma_start3A_58 = tpu.memref_slice %arg5[%add3A_23] : memref<819200xi32, #tpu.memory_space<hbm>> -> memref<256xi32, #tpu.memory_space<hbm>>
    tpu.enqueue_dma source(%dma_start3A_58 : memref<256xi32, #tpu.memory_space<hbm>>) target(%dma_start3A_57 : memref<256xi32, #tpu.memory_space<vmem>>) target_semaphore(%arg10 : memref<!tpu.dma_semaphore, #tpu.memory_space<semaphore_mem>>)
    %dma_start3A_59 = arith.constant 0 : i32
    %dma_start3A_60 = arith.constant 0 : i32
    %dma_start3A_61 = arith.constant 256 : i32
    %dma_start3A_62 = tpu.memref_slice %arg7[%dma_start3A_59, %dma_start3A_60, %dma_start3A_61] : memref<2x3x1024xi32, #tpu.memory_space<vmem>> -> memref<1x1x256xi32, #tpu.memory_space<vmem>>
    %dma_start3A_63 = tpu.memref_squeeze %dma_start3A_62 : memref<1x1x256xi32, #tpu.memory_space<vmem>> -> memref<256xi32, #tpu.memory_space<vmem>>
    %dma_start3A_64 = tpu.memref_slice %arg3[%add3A_25] : memref<819200xi32, #tpu.memory_space<hbm>> -> memref<256xi32, #tpu.memory_space<hbm>>
    %dma_start3A_65 = arith.constant 256 : i32
    %dma_start3A_66 = tpu.memref_slice %arg7[%dma_start3A_59, %dma_start3A_60, %dma_start3A_65] : memref<2x3x1024xi32, #tpu.memory_space<vmem>> -> memref<1x1x256xi32, #tpu.memory_space<vmem>>
    %dma_start3A_67 = tpu.memref_squeeze %dma_start3A_66 : memref<1x1x256xi32, #tpu.memory_space<vmem>> -> memref<256xi32, #tpu.memory_space<vmem>>
    %dma_start3A_68 = tpu.memref_slice %arg3[%add3A_25] : memref<819200xi32, #tpu.memory_space<hbm>> -> memref<256xi32, #tpu.memory_space<hbm>>
    tpu.enqueue_dma source(%dma_start3A_68 : memref<256xi32, #tpu.memory_space<hbm>>) target(%dma_start3A_67 : memref<256xi32, #tpu.memory_space<vmem>>) target_semaphore(%arg10 : memref<!tpu.dma_semaphore, #tpu.memory_space<semaphore_mem>>)
    %dma_start3A_69 = arith.constant 0 : i32
    %dma_start3A_70 = arith.constant 1 : i32
    %dma_start3A_71 = arith.constant 256 : i32
    %dma_start3A_72 = tpu.memref_slice %arg7[%dma_start3A_69, %dma_start3A_70, %dma_start3A_71] : memref<2x3x1024xi32, #tpu.memory_space<vmem>> -> memref<1x1x256xi32, #tpu.memory_space<vmem>>
    %dma_start3A_73 = tpu.memref_squeeze %dma_start3A_72 : memref<1x1x256xi32, #tpu.memory_space<vmem>> -> memref<256xi32, #tpu.memory_space<vmem>>
    %dma_start3A_74 = tpu.memref_slice %arg4[%add3A_25] : memref<819200xi32, #tpu.memory_space<hbm>> -> memref<256xi32, #tpu.memory_space<hbm>>
    %dma_start3A_75 = arith.constant 256 : i32
    %dma_start3A_76 = tpu.memref_slice %arg7[%dma_start3A_69, %dma_start3A_70, %dma_start3A_75] : memref<2x3x1024xi32, #tpu.memory_space<vmem>> -> memref<1x1x256xi32, #tpu.memory_space<vmem>>
    %dma_start3A_77 = tpu.memref_squeeze %dma_start3A_76 : memref<1x1x256xi32, #tpu.memory_space<vmem>> -> memref<256xi32, #tpu.memory_space<vmem>>
    %dma_start3A_78 = tpu.memref_slice %arg4[%add3A_25] : memref<819200xi32, #tpu.memory_space<hbm>> -> memref<256xi32, #tpu.memory_space<hbm>>
    tpu.enqueue_dma source(%dma_start3A_78 : memref<256xi32, #tpu.memory_space<hbm>>) target(%dma_start3A_77 : memref<256xi32, #tpu.memory_space<vmem>>) target_semaphore(%arg10 : memref<!tpu.dma_semaphore, #tpu.memory_space<semaphore_mem>>)
    %dma_start3A_79 = arith.constant 0 : i32
    %dma_start3A_80 = arith.constant 2 : i32
    %dma_start3A_81 = arith.constant 256 : i32
    %dma_start3A_82 = tpu.memref_slice %arg7[%dma_start3A_79, %dma_start3A_80, %dma_start3A_81] : memref<2x3x1024xi32, #tpu.memory_space<vmem>> -> memref<1x1x256xi32, #tpu.memory_space<vmem>>
    %dma_start3A_83 = tpu.memref_squeeze %dma_start3A_82 : memref<1x1x256xi32, #tpu.memory_space<vmem>> -> memref<256xi32, #tpu.memory_space<vmem>>
    %dma_start3A_84 = tpu.memref_slice %arg5[%add3A_25] : memref<819200xi32, #tpu.memory_space<hbm>> -> memref<256xi32, #tpu.memory_space<hbm>>
    %dma_start3A_85 = arith.constant 256 : i32
    %dma_start3A_86 = tpu.memref_slice %arg7[%dma_start3A_79, %dma_start3A_80, %dma_start3A_85] : memref<2x3x1024xi32, #tpu.memory_space<vmem>> -> memref<1x1x256xi32, #tpu.memory_space<vmem>>
    %dma_start3A_87 = tpu.memref_squeeze %dma_start3A_86 : memref<1x1x256xi32, #tpu.memory_space<vmem>> -> memref<256xi32, #tpu.memory_space<vmem>>
    %dma_start3A_88 = tpu.memref_slice %arg5[%add3A_25] : memref<819200xi32, #tpu.memory_space<hbm>> -> memref<256xi32, #tpu.memory_space<hbm>>
    tpu.enqueue_dma source(%dma_start3A_88 : memref<256xi32, #tpu.memory_space<hbm>>) target(%dma_start3A_87 : memref<256xi32, #tpu.memory_space<vmem>>) target_semaphore(%arg10 : memref<!tpu.dma_semaphore, #tpu.memory_space<semaphore_mem>>)
    %dma_start3A_89 = arith.constant 0 : i32
    %dma_start3A_90 = arith.constant 0 : i32
    %dma_start3A_91 = arith.constant 512 : i32
    %dma_start3A_92 = tpu.memref_slice %arg7[%dma_start3A_89, %dma_start3A_90, %dma_start3A_91] : memref<2x3x1024xi32, #tpu.memory_space<vmem>> -> memref<1x1x256xi32, #tpu.memory_space<vmem>>
    %dma_start3A_93 = tpu.memref_squeeze %dma_start3A_92 : memref<1x1x256xi32, #tpu.memory_space<vmem>> -> memref<256xi32, #tpu.memory_space<vmem>>
    %dma_start3A_94 = tpu.memref_slice %arg3[%add3A_27] : memref<819200xi32, #tpu.memory_space<hbm>> -> memref<256xi32, #tpu.memory_space<hbm>>
    %dma_start3A_95 = arith.constant 512 : i32
    %dma_start3A_96 = tpu.memref_slice %arg7[%dma_start3A_89, %dma_start3A_90, %dma_start3A_95] : memref<2x3x1024xi32, #tpu.memory_space<vmem>> -> memref<1x1x256xi32, #tpu.memory_space<vmem>>
    %dma_start3A_97 = tpu.memref_squeeze %dma_start3A_96 : memref<1x1x256xi32, #tpu.memory_space<vmem>> -> memref<256xi32, #tpu.memory_space<vmem>>
    %dma_start3A_98 = tpu.memref_slice %arg3[%add3A_27] : memref<819200xi32, #tpu.memory_space<hbm>> -> memref<256xi32, #tpu.memory_space<hbm>>
    tpu.enqueue_dma source(%dma_start3A_98 : memref<256xi32, #tpu.memory_space<hbm>>) target(%dma_start3A_97 : memref<256xi32, #tpu.memory_space<vmem>>) target_semaphore(%arg10 : memref<!tpu.dma_semaphore, #tpu.memory_space<semaphore_mem>>)
    %dma_start3A_99 = arith.constant 0 : i32
    %dma_start3A_100 = arith.constant 1 : i32
    %dma_start3A_101 = arith.constant 512 : i32
    %dma_start3A_102 = tpu.memref_slice %arg7[%dma_start3A_99, %dma_start3A_100, %dma_start3A_101] : memref<2x3x1024xi32, #tpu.memory_space<vmem>> -> memref<1x1x256xi32, #tpu.memory_space<vmem>>
    %dma_start3A_103 = tpu.memref_squeeze %dma_start3A_102 : memref<1x1x256xi32, #tpu.memory_space<vmem>> -> memref<256xi32, #tpu.memory_space<vmem>>
    %dma_start3A_104 = tpu.memref_slice %arg4[%add3A_27] : memref<819200xi32, #tpu.memory_space<hbm>> -> memref<256xi32, #tpu.memory_space<hbm>>
    %dma_start3A_105 = arith.constant 512 : i32
    %dma_start3A_106 = tpu.memref_slice %arg7[%dma_start3A_99, %dma_start3A_100, %dma_start3A_105] : memref<2x3x1024xi32, #tpu.memory_space<vmem>> -> memref<1x1x256xi32, #tpu.memory_space<vmem>>
    %dma_start3A_107 = tpu.memref_squeeze %dma_start3A_106 : memref<1x1x256xi32, #tpu.memory_space<vmem>> -> memref<256xi32, #tpu.memory_space<vmem>>
    %dma_start3A_108 = tpu.memref_slice %arg4[%add3A_27] : memref<819200xi32, #tpu.memory_space<hbm>> -> memref<256xi32, #tpu.memory_space<hbm>>
    tpu.enqueue_dma source(%dma_start3A_108 : memref<256xi32, #tpu.memory_space<hbm>>) target(%dma_start3A_107 : memref<256xi32, #tpu.memory_space<vmem>>) target_semaphore(%arg10 : memref<!tpu.dma_semaphore, #tpu.memory_space<semaphore_mem>>)
    %dma_start3A_109 = arith.constant 0 : i32
    %dma_start3A_110 = arith.constant 2 : i32
    %dma_start3A_111 = arith.constant 512 : i32
    %dma_start3A_112 = tpu.memref_slice %arg7[%dma_start3A_109, %dma_start3A_110, %dma_start3A_111] : memref<2x3x1024xi32, #tpu.memory_space<vmem>> -> memref<1x1x256xi32, #tpu.memory_space<vmem>>
    %dma_start3A_113 = tpu.memref_squeeze %dma_start3A_112 : memref<1x1x256xi32, #tpu.memory_space<vmem>> -> memref<256xi32, #tpu.memory_space<vmem>>
    %dma_start3A_114 = tpu.memref_slice %arg5[%add3A_27] : memref<819200xi32, #tpu.memory_space<hbm>> -> memref<256xi32, #tpu.memory_space<hbm>>
    %dma_start3A_115 = arith.constant 512 : i32
    %dma_start3A_116 = tpu.memref_slice %arg7[%dma_start3A_109, %dma_start3A_110, %dma_start3A_115] : memref<2x3x1024xi32, #tpu.memory_space<vmem>> -> memref<1x1x256xi32, #tpu.memory_space<vmem>>
    %dma_start3A_117 = tpu.memref_squeeze %dma_start3A_116 : memref<1x1x256xi32, #tpu.memory_space<vmem>> -> memref<256xi32, #tpu.memory_space<vmem>>
    %dma_start3A_118 = tpu.memref_slice %arg5[%add3A_27] : memref<819200xi32, #tpu.memory_space<hbm>> -> memref<256xi32, #tpu.memory_space<hbm>>
    tpu.enqueue_dma source(%dma_start3A_118 : memref<256xi32, #tpu.memory_space<hbm>>) target(%dma_start3A_117 : memref<256xi32, #tpu.memory_space<vmem>>) target_semaphore(%arg10 : memref<!tpu.dma_semaphore, #tpu.memory_space<semaphore_mem>>)
    %dma_start3A_119 = arith.constant 0 : i32
    %dma_start3A_120 = arith.constant 0 : i32
    %dma_start3A_121 = arith.constant 768 : i32
    %dma_start3A_122 = tpu.memref_slice %arg7[%dma_start3A_119, %dma_start3A_120, %dma_start3A_121] : memref<2x3x1024xi32, #tpu.memory_space<vmem>> -> memref<1x1x256xi32, #tpu.memory_space<vmem>>
    %dma_start3A_123 = tpu.memref_squeeze %dma_start3A_122 : memref<1x1x256xi32, #tpu.memory_space<vmem>> -> memref<256xi32, #tpu.memory_space<vmem>>
    %dma_start3A_124 = tpu.memref_slice %arg3[%add3A_29] : memref<819200xi32, #tpu.memory_space<hbm>> -> memref<256xi32, #tpu.memory_space<hbm>>
    %dma_start3A_125 = arith.constant 768 : i32
    %dma_start3A_126 = tpu.memref_slice %arg7[%dma_start3A_119, %dma_start3A_120, %dma_start3A_125] : memref<2x3x1024xi32, #tpu.memory_space<vmem>> -> memref<1x1x256xi32, #tpu.memory_space<vmem>>
    %dma_start3A_127 = tpu.memref_squeeze %dma_start3A_126 : memref<1x1x256xi32, #tpu.memory_space<vmem>> -> memref<256xi32, #tpu.memory_space<vmem>>
    %dma_start3A_128 = tpu.memref_slice %arg3[%add3A_29] : memref<819200xi32, #tpu.memory_space<hbm>> -> memref<256xi32, #tpu.memory_space<hbm>>
    tpu.enqueue_dma source(%dma_start3A_128 : memref<256xi32, #tpu.memory_space<hbm>>) target(%dma_start3A_127 : memref<256xi32, #tpu.memory_space<vmem>>) target_semaphore(%arg10 : memref<!tpu.dma_semaphore, #tpu.memory_space<semaphore_mem>>)
    %dma_start3A_129 = arith.constant 0 : i32
    %dma_start3A_130 = arith.constant 1 : i32
    %dma_start3A_131 = arith.constant 768 : i32
    %dma_start3A_132 = tpu.memref_slice %arg7[%dma_start3A_129, %dma_start3A_130, %dma_start3A_131] : memref<2x3x1024xi32, #tpu.memory_space<vmem>> -> memref<1x1x256xi32, #tpu.memory_space<vmem>>
    %dma_start3A_133 = tpu.memref_squeeze %dma_start3A_132 : memref<1x1x256xi32, #tpu.memory_space<vmem>> -> memref<256xi32, #tpu.memory_space<vmem>>
    %dma_start3A_134 = tpu.memref_slice %arg4[%add3A_29] : memref<819200xi32, #tpu.memory_space<hbm>> -> memref<256xi32, #tpu.memory_space<hbm>>
    %dma_start3A_135 = arith.constant 768 : i32
    %dma_start3A_136 = tpu.memref_slice %arg7[%dma_start3A_129, %dma_start3A_130, %dma_start3A_135] : memref<2x3x1024xi32, #tpu.memory_space<vmem>> -> memref<1x1x256xi32, #tpu.memory_space<vmem>>
    %dma_start3A_137 = tpu.memref_squeeze %dma_start3A_136 : memref<1x1x256xi32, #tpu.memory_space<vmem>> -> memref<256xi32, #tpu.memory_space<vmem>>
    %dma_start3A_138 = tpu.memref_slice %arg4[%add3A_29] : memref<819200xi32, #tpu.memory_space<hbm>> -> memref<256xi32, #tpu.memory_space<hbm>>
    tpu.enqueue_dma source(%dma_start3A_138 : memref<256xi32, #tpu.memory_space<hbm>>) target(%dma_start3A_137 : memref<256xi32, #tpu.memory_space<vmem>>) target_semaphore(%arg10 : memref<!tpu.dma_semaphore, #tpu.memory_space<semaphore_mem>>)
    %dma_start3A_139 = arith.constant 0 : i32
    %dma_start3A_140 = arith.constant 2 : i32
    %dma_start3A_141 = arith.constant 768 : i32
    %dma_start3A_142 = tpu.memref_slice %arg7[%dma_start3A_139, %dma_start3A_140, %dma_start3A_141] : memref<2x3x1024xi32, #tpu.memory_space<vmem>> -> memref<1x1x256xi32, #tpu.memory_space<vmem>>
    %dma_start3A_143 = tpu.memref_squeeze %dma_start3A_142 : memref<1x1x256xi32, #tpu.memory_space<vmem>> -> memref<256xi32, #tpu.memory_space<vmem>>
    %dma_start3A_144 = tpu.memref_slice %arg5[%add3A_29] : memref<819200xi32, #tpu.memory_space<hbm>> -> memref<256xi32, #tpu.memory_space<hbm>>
    %dma_start3A_145 = arith.constant 768 : i32
    %dma_start3A_146 = tpu.memref_slice %arg7[%dma_start3A_139, %dma_start3A_140, %dma_start3A_145] : memref<2x3x1024xi32, #tpu.memory_space<vmem>> -> memref<1x1x256xi32, #tpu.memory_space<vmem>>
    %dma_start3A_147 = tpu.memref_squeeze %dma_start3A_146 : memref<1x1x256xi32, #tpu.memory_space<vmem>> -> memref<256xi32, #tpu.memory_space<vmem>>
    %dma_start3A_148 = tpu.memref_slice %arg5[%add3A_29] : memref<819200xi32, #tpu.memory_space<hbm>> -> memref<256xi32, #tpu.memory_space<hbm>>
    tpu.enqueue_dma source(%dma_start3A_148 : memref<256xi32, #tpu.memory_space<hbm>>) target(%dma_start3A_147 : memref<256xi32, #tpu.memory_space<vmem>>) target_semaphore(%arg10 : memref<!tpu.dma_semaphore, #tpu.memory_space<semaphore_mem>>)
    %scan3A = arith.constant 0 : i32
    %scan3A_149 = arith.constant 0 : i32
    %scan3A_150 = arith.constant 13 : i32
    %scan3A_151 = arith.addi %scan3A_149, %scan3A_150 : i32
    %scan3A_152 = arith.constant 1 : i32
    scf.for %scan3A_228 = %scan3A_149 to %scan3A_151 step %scan3A_152  : i32 {
      %mul3A_229 = arith.constant 2 : i32
      %mul3A_230 = arith.muli %mul3A_229, %scan3A_228 : i32
      %add3A_231 = arith.constant 0 : i32
      %add3A_232 = arith.addi %mul3A_230, %add3A_231 : i32
      %lt3A = arith.constant 25 : i32
      %lt3A_233 = arith.cmpi slt, %add3A_232, %lt3A : i32
      %convert_element_type3A = arith.extui %lt3A_233 : i1 to i32
      %cond3A = arith.constant 0 : i32
      %cond3A_234 = arith.cmpi ne, %convert_element_type3A, %cond3A : i32
      scf.if %cond3A_234 {
        %add3A_244 = arith.constant 1 : i32
        %add3A_245 = arith.addi %add3A_232, %add3A_244 : i32
        %lt3A_246 = arith.constant 25 : i32
        %lt3A_247 = arith.cmpi slt, %add3A_245, %lt3A_246 : i32
        %convert_element_type3A_248 = arith.extui %lt3A_247 : i1 to i32
        %cond3A_249 = arith.constant 0 : i32
        %cond3A_250 = arith.cmpi ne, %convert_element_type3A_248, %cond3A_249 : i32
        scf.if %cond3A_250 {
          %add3A_418 = arith.constant 1 : i32
          %add3A_419 = arith.addi %add3A_232, %add3A_418 : i32
          %mul3A_420 = arith.constant 25 : i32
          %mul3A_421 = arith.muli %add3A, %mul3A_420 : i32
          %add3A_422 = arith.addi %mul3A_421, %add3A_419 : i32
          %shift_right_arithmetic3A_423 = arith.constant 2 : i32
          %shift_right_arithmetic3A_424 = arith.shrsi %add3A_422, %shift_right_arithmetic3A_423 : i32
          %mul3A_425 = arith.constant 4096 : i32
          %mul3A_426 = arith.muli %shift_right_arithmetic3A_424, %mul3A_425 : i32
          %and3A_427 = arith.constant 3 : i32
          %and3A_428 = arith.andi %add3A_422, %and3A_427 : i32
          %mul3A_429 = arith.constant 256 : i32
          %mul3A_430 = arith.muli %and3A_428, %mul3A_429 : i32
          %add3A_431 = arith.addi %mul3A_426, %mul3A_430 : i32
          %add3A_432 = arith.constant 0 : i32
          %add3A_433 = arith.addi %add3A_431, %add3A_432 : i32
          %add3A_434 = arith.constant 1024 : i32
          %add3A_435 = arith.addi %add3A_431, %add3A_434 : i32
          %add3A_436 = arith.constant 2048 : i32
          %add3A_437 = arith.addi %add3A_431, %add3A_436 : i32
          %add3A_438 = arith.constant 3072 : i32
          %add3A_439 = arith.addi %add3A_431, %add3A_438 : i32
          %dma_start3A_440 = arith.constant 1 : i32
          %dma_start3A_441 = arith.constant 0 : i32
          %dma_start3A_442 = arith.constant 0 : i32
          %dma_start3A_443 = tpu.memref_slice %arg7[%dma_start3A_440, %dma_start3A_441, %dma_start3A_442] : memref<2x3x1024xi32, #tpu.memory_space<vmem>> -> memref<1x1x256xi32, #tpu.memory_space<vmem>>
          %dma_start3A_444 = tpu.memref_squeeze %dma_start3A_443 : memref<1x1x256xi32, #tpu.memory_space<vmem>> -> memref<256xi32, #tpu.memory_space<vmem>>
          %dma_start3A_445 = tpu.memref_slice %arg3[%add3A_433] : memref<819200xi32, #tpu.memory_space<hbm>> -> memref<256xi32, #tpu.memory_space<hbm>>
          %dma_start3A_446 = arith.constant 0 : i32
          %dma_start3A_447 = tpu.memref_slice %arg7[%dma_start3A_440, %dma_start3A_441, %dma_start3A_446] : memref<2x3x1024xi32, #tpu.memory_space<vmem>> -> memref<1x1x256xi32, #tpu.memory_space<vmem>>
          %dma_start3A_448 = tpu.memref_squeeze %dma_start3A_447 : memref<1x1x256xi32, #tpu.memory_space<vmem>> -> memref<256xi32, #tpu.memory_space<vmem>>
          %dma_start3A_449 = tpu.memref_slice %arg3[%add3A_433] : memref<819200xi32, #tpu.memory_space<hbm>> -> memref<256xi32, #tpu.memory_space<hbm>>
          tpu.enqueue_dma source(%dma_start3A_449 : memref<256xi32, #tpu.memory_space<hbm>>) target(%dma_start3A_448 : memref<256xi32, #tpu.memory_space<vmem>>) target_semaphore(%arg11 : memref<!tpu.dma_semaphore, #tpu.memory_space<semaphore_mem>>)
          %dma_start3A_450 = arith.constant 1 : i32
          %dma_start3A_451 = arith.constant 1 : i32
          %dma_start3A_452 = arith.constant 0 : i32
          %dma_start3A_453 = tpu.memref_slice %arg7[%dma_start3A_450, %dma_start3A_451, %dma_start3A_452] : memref<2x3x1024xi32, #tpu.memory_space<vmem>> -> memref<1x1x256xi32, #tpu.memory_space<vmem>>
          %dma_start3A_454 = tpu.memref_squeeze %dma_start3A_453 : memref<1x1x256xi32, #tpu.memory_space<vmem>> -> memref<256xi32, #tpu.memory_space<vmem>>
          %dma_start3A_455 = tpu.memref_slice %arg4[%add3A_433] : memref<819200xi32, #tpu.memory_space<hbm>> -> memref<256xi32, #tpu.memory_space<hbm>>
          %dma_start3A_456 = arith.constant 0 : i32
          %dma_start3A_457 = tpu.memref_slice %arg7[%dma_start3A_450, %dma_start3A_451, %dma_start3A_456] : memref<2x3x1024xi32, #tpu.memory_space<vmem>> -> memref<1x1x256xi32, #tpu.memory_space<vmem>>
          %dma_start3A_458 = tpu.memref_squeeze %dma_start3A_457 : memref<1x1x256xi32, #tpu.memory_space<vmem>> -> memref<256xi32, #tpu.memory_space<vmem>>
          %dma_start3A_459 = tpu.memref_slice %arg4[%add3A_433] : memref<819200xi32, #tpu.memory_space<hbm>> -> memref<256xi32, #tpu.memory_space<hbm>>
          tpu.enqueue_dma source(%dma_start3A_459 : memref<256xi32, #tpu.memory_space<hbm>>) target(%dma_start3A_458 : memref<256xi32, #tpu.memory_space<vmem>>) target_semaphore(%arg11 : memref<!tpu.dma_semaphore, #tpu.memory_space<semaphore_mem>>)
          %dma_start3A_460 = arith.constant 1 : i32
          %dma_start3A_461 = arith.constant 2 : i32
          %dma_start3A_462 = arith.constant 0 : i32
          %dma_start3A_463 = tpu.memref_slice %arg7[%dma_start3A_460, %dma_start3A_461, %dma_start3A_462] : memref<2x3x1024xi32, #tpu.memory_space<vmem>> -> memref<1x1x256xi32, #tpu.memory_space<vmem>>
          %dma_start3A_464 = tpu.memref_squeeze %dma_start3A_463 : memref<1x1x256xi32, #tpu.memory_space<vmem>> -> memref<256xi32, #tpu.memory_space<vmem>>
          %dma_start3A_465 = tpu.memref_slice %arg5[%add3A_433] : memref<819200xi32, #tpu.memory_space<hbm>> -> memref<256xi32, #tpu.memory_space<hbm>>
          %dma_start3A_466 = arith.constant 0 : i32
          %dma_start3A_467 = tpu.memref_slice %arg7[%dma_start3A_460, %dma_start3A_461, %dma_start3A_466] : memref<2x3x1024xi32, #tpu.memory_space<vmem>> -> memref<1x1x256xi32, #tpu.memory_space<vmem>>
          %dma_start3A_468 = tpu.memref_squeeze %dma_start3A_467 : memref<1x1x256xi32, #tpu.memory_space<vmem>> -> memref<256xi32, #tpu.memory_space<vmem>>
          %dma_start3A_469 = tpu.memref_slice %arg5[%add3A_433] : memref<819200xi32, #tpu.memory_space<hbm>> -> memref<256xi32, #tpu.memory_space<hbm>>
          tpu.enqueue_dma source(%dma_start3A_469 : memref<256xi32, #tpu.memory_space<hbm>>) target(%dma_start3A_468 : memref<256xi32, #tpu.memory_space<vmem>>) target_semaphore(%arg11 : memref<!tpu.dma_semaphore, #tpu.memory_space<semaphore_mem>>)
          %dma_start3A_470 = arith.constant 1 : i32
          %dma_start3A_471 = arith.constant 0 : i32
          %dma_start3A_472 = arith.constant 256 : i32
          %dma_start3A_473 = tpu.memref_slice %arg7[%dma_start3A_470, %dma_start3A_471, %dma_start3A_472] : memref<2x3x1024xi32, #tpu.memory_space<vmem>> -> memref<1x1x256xi32, #tpu.memory_space<vmem>>
          %dma_start3A_474 = tpu.memref_squeeze %dma_start3A_473 : memref<1x1x256xi32, #tpu.memory_space<vmem>> -> memref<256xi32, #tpu.memory_space<vmem>>
          %dma_start3A_475 = tpu.memref_slice %arg3[%add3A_435] : memref<819200xi32, #tpu.memory_space<hbm>> -> memref<256xi32, #tpu.memory_space<hbm>>
          %dma_start3A_476 = arith.constant 256 : i32
          %dma_start3A_477 = tpu.memref_slice %arg7[%dma_start3A_470, %dma_start3A_471, %dma_start3A_476] : memref<2x3x1024xi32, #tpu.memory_space<vmem>> -> memref<1x1x256xi32, #tpu.memory_space<vmem>>
          %dma_start3A_478 = tpu.memref_squeeze %dma_start3A_477 : memref<1x1x256xi32, #tpu.memory_space<vmem>> -> memref<256xi32, #tpu.memory_space<vmem>>
          %dma_start3A_479 = tpu.memref_slice %arg3[%add3A_435] : memref<819200xi32, #tpu.memory_space<hbm>> -> memref<256xi32, #tpu.memory_space<hbm>>
          tpu.enqueue_dma source(%dma_start3A_479 : memref<256xi32, #tpu.memory_space<hbm>>) target(%dma_start3A_478 : memref<256xi32, #tpu.memory_space<vmem>>) target_semaphore(%arg11 : memref<!tpu.dma_semaphore, #tpu.memory_space<semaphore_mem>>)
          %dma_start3A_480 = arith.constant 1 : i32
          %dma_start3A_481 = arith.constant 1 : i32
          %dma_start3A_482 = arith.constant 256 : i32
          %dma_start3A_483 = tpu.memref_slice %arg7[%dma_start3A_480, %dma_start3A_481, %dma_start3A_482] : memref<2x3x1024xi32, #tpu.memory_space<vmem>> -> memref<1x1x256xi32, #tpu.memory_space<vmem>>
          %dma_start3A_484 = tpu.memref_squeeze %dma_start3A_483 : memref<1x1x256xi32, #tpu.memory_space<vmem>> -> memref<256xi32, #tpu.memory_space<vmem>>
          %dma_start3A_485 = tpu.memref_slice %arg4[%add3A_435] : memref<819200xi32, #tpu.memory_space<hbm>> -> memref<256xi32, #tpu.memory_space<hbm>>
          %dma_start3A_486 = arith.constant 256 : i32
          %dma_start3A_487 = tpu.memref_slice %arg7[%dma_start3A_480, %dma_start3A_481, %dma_start3A_486] : memref<2x3x1024xi32, #tpu.memory_space<vmem>> -> memref<1x1x256xi32, #tpu.memory_space<vmem>>
          %dma_start3A_488 = tpu.memref_squeeze %dma_start3A_487 : memref<1x1x256xi32, #tpu.memory_space<vmem>> -> memref<256xi32, #tpu.memory_space<vmem>>
          %dma_start3A_489 = tpu.memref_slice %arg4[%add3A_435] : memref<819200xi32, #tpu.memory_space<hbm>> -> memref<256xi32, #tpu.memory_space<hbm>>
          tpu.enqueue_dma source(%dma_start3A_489 : memref<256xi32, #tpu.memory_space<hbm>>) target(%dma_start3A_488 : memref<256xi32, #tpu.memory_space<vmem>>) target_semaphore(%arg11 : memref<!tpu.dma_semaphore, #tpu.memory_space<semaphore_mem>>)
          %dma_start3A_490 = arith.constant 1 : i32
          %dma_start3A_491 = arith.constant 2 : i32
          %dma_start3A_492 = arith.constant 256 : i32
          %dma_start3A_493 = tpu.memref_slice %arg7[%dma_start3A_490, %dma_start3A_491, %dma_start3A_492] : memref<2x3x1024xi32, #tpu.memory_space<vmem>> -> memref<1x1x256xi32, #tpu.memory_space<vmem>>
          %dma_start3A_494 = tpu.memref_squeeze %dma_start3A_493 : memref<1x1x256xi32, #tpu.memory_space<vmem>> -> memref<256xi32, #tpu.memory_space<vmem>>
          %dma_start3A_495 = tpu.memref_slice %arg5[%add3A_435] : memref<819200xi32, #tpu.memory_space<hbm>> -> memref<256xi32, #tpu.memory_space<hbm>>
          %dma_start3A_496 = arith.constant 256 : i32
          %dma_start3A_497 = tpu.memref_slice %arg7[%dma_start3A_490, %dma_start3A_491, %dma_start3A_496] : memref<2x3x1024xi32, #tpu.memory_space<vmem>> -> memref<1x1x256xi32, #tpu.memory_space<vmem>>
          %dma_start3A_498 = tpu.memref_squeeze %dma_start3A_497 : memref<1x1x256xi32, #tpu.memory_space<vmem>> -> memref<256xi32, #tpu.memory_space<vmem>>
          %dma_start3A_499 = tpu.memref_slice %arg5[%add3A_435] : memref<819200xi32, #tpu.memory_space<hbm>> -> memref<256xi32, #tpu.memory_space<hbm>>
          tpu.enqueue_dma source(%dma_start3A_499 : memref<256xi32, #tpu.memory_space<hbm>>) target(%dma_start3A_498 : memref<256xi32, #tpu.memory_space<vmem>>) target_semaphore(%arg11 : memref<!tpu.dma_semaphore, #tpu.memory_space<semaphore_mem>>)
          %dma_start3A_500 = arith.constant 1 : i32
          %dma_start3A_501 = arith.constant 0 : i32
          %dma_start3A_502 = arith.constant 512 : i32
          %dma_start3A_503 = tpu.memref_slice %arg7[%dma_start3A_500, %dma_start3A_501, %dma_start3A_502] : memref<2x3x1024xi32, #tpu.memory_space<vmem>> -> memref<1x1x256xi32, #tpu.memory_space<vmem>>
          %dma_start3A_504 = tpu.memref_squeeze %dma_start3A_503 : memref<1x1x256xi32, #tpu.memory_space<vmem>> -> memref<256xi32, #tpu.memory_space<vmem>>
          %dma_start3A_505 = tpu.memref_slice %arg3[%add3A_437] : memref<819200xi32, #tpu.memory_space<hbm>> -> memref<256xi32, #tpu.memory_space<hbm>>
          %dma_start3A_506 = arith.constant 512 : i32
          %dma_start3A_507 = tpu.memref_slice %arg7[%dma_start3A_500, %dma_start3A_501, %dma_start3A_506] : memref<2x3x1024xi32, #tpu.memory_space<vmem>> -> memref<1x1x256xi32, #tpu.memory_space<vmem>>
          %dma_start3A_508 = tpu.memref_squeeze %dma_start3A_507 : memref<1x1x256xi32, #tpu.memory_space<vmem>> -> memref<256xi32, #tpu.memory_space<vmem>>
          %dma_start3A_509 = tpu.memref_slice %arg3[%add3A_437] : memref<819200xi32, #tpu.memory_space<hbm>> -> memref<256xi32, #tpu.memory_space<hbm>>
          tpu.enqueue_dma source(%dma_start3A_509 : memref<256xi32, #tpu.memory_space<hbm>>) target(%dma_start3A_508 : memref<256xi32, #tpu.memory_space<vmem>>) target_semaphore(%arg11 : memref<!tpu.dma_semaphore, #tpu.memory_space<semaphore_mem>>)
          %dma_start3A_510 = arith.constant 1 : i32
          %dma_start3A_511 = arith.constant 1 : i32
          %dma_start3A_512 = arith.constant 512 : i32
          %dma_start3A_513 = tpu.memref_slice %arg7[%dma_start3A_510, %dma_start3A_511, %dma_start3A_512] : memref<2x3x1024xi32, #tpu.memory_space<vmem>> -> memref<1x1x256xi32, #tpu.memory_space<vmem>>
          %dma_start3A_514 = tpu.memref_squeeze %dma_start3A_513 : memref<1x1x256xi32, #tpu.memory_space<vmem>> -> memref<256xi32, #tpu.memory_space<vmem>>
          %dma_start3A_515 = tpu.memref_slice %arg4[%add3A_437] : memref<819200xi32, #tpu.memory_space<hbm>> -> memref<256xi32, #tpu.memory_space<hbm>>
          %dma_start3A_516 = arith.constant 512 : i32
          %dma_start3A_517 = tpu.memref_slice %arg7[%dma_start3A_510, %dma_start3A_511, %dma_start3A_516] : memref<2x3x1024xi32, #tpu.memory_space<vmem>> -> memref<1x1x256xi32, #tpu.memory_space<vmem>>
          %dma_start3A_518 = tpu.memref_squeeze %dma_start3A_517 : memref<1x1x256xi32, #tpu.memory_space<vmem>> -> memref<256xi32, #tpu.memory_space<vmem>>
          %dma_start3A_519 = tpu.memref_slice %arg4[%add3A_437] : memref<819200xi32, #tpu.memory_space<hbm>> -> memref<256xi32, #tpu.memory_space<hbm>>
          tpu.enqueue_dma source(%dma_start3A_519 : memref<256xi32, #tpu.memory_space<hbm>>) target(%dma_start3A_518 : memref<256xi32, #tpu.memory_space<vmem>>) target_semaphore(%arg11 : memref<!tpu.dma_semaphore, #tpu.memory_space<semaphore_mem>>)
          %dma_start3A_520 = arith.constant 1 : i32
          %dma_start3A_521 = arith.constant 2 : i32
          %dma_start3A_522 = arith.constant 512 : i32
          %dma_start3A_523 = tpu.memref_slice %arg7[%dma_start3A_520, %dma_start3A_521, %dma_start3A_522] : memref<2x3x1024xi32, #tpu.memory_space<vmem>> -> memref<1x1x256xi32, #tpu.memory_space<vmem>>
          %dma_start3A_524 = tpu.memref_squeeze %dma_start3A_523 : memref<1x1x256xi32, #tpu.memory_space<vmem>> -> memref<256xi32, #tpu.memory_space<vmem>>
          %dma_start3A_525 = tpu.memref_slice %arg5[%add3A_437] : memref<819200xi32, #tpu.memory_space<hbm>> -> memref<256xi32, #tpu.memory_space<hbm>>
          %dma_start3A_526 = arith.constant 512 : i32
          %dma_start3A_527 = tpu.memref_slice %arg7[%dma_start3A_520, %dma_start3A_521, %dma_start3A_526] : memref<2x3x1024xi32, #tpu.memory_space<vmem>> -> memref<1x1x256xi32, #tpu.memory_space<vmem>>
          %dma_start3A_528 = tpu.memref_squeeze %dma_start3A_527 : memref<1x1x256xi32, #tpu.memory_space<vmem>> -> memref<256xi32, #tpu.memory_space<vmem>>
          %dma_start3A_529 = tpu.memref_slice %arg5[%add3A_437] : memref<819200xi32, #tpu.memory_space<hbm>> -> memref<256xi32, #tpu.memory_space<hbm>>
          tpu.enqueue_dma source(%dma_start3A_529 : memref<256xi32, #tpu.memory_space<hbm>>) target(%dma_start3A_528 : memref<256xi32, #tpu.memory_space<vmem>>) target_semaphore(%arg11 : memref<!tpu.dma_semaphore, #tpu.memory_space<semaphore_mem>>)
          %dma_start3A_530 = arith.constant 1 : i32
          %dma_start3A_531 = arith.constant 0 : i32
          %dma_start3A_532 = arith.constant 768 : i32
          %dma_start3A_533 = tpu.memref_slice %arg7[%dma_start3A_530, %dma_start3A_531, %dma_start3A_532] : memref<2x3x1024xi32, #tpu.memory_space<vmem>> -> memref<1x1x256xi32, #tpu.memory_space<vmem>>
          %dma_start3A_534 = tpu.memref_squeeze %dma_start3A_533 : memref<1x1x256xi32, #tpu.memory_space<vmem>> -> memref<256xi32, #tpu.memory_space<vmem>>
          %dma_start3A_535 = tpu.memref_slice %arg3[%add3A_439] : memref<819200xi32, #tpu.memory_space<hbm>> -> memref<256xi32, #tpu.memory_space<hbm>>
          %dma_start3A_536 = arith.constant 768 : i32
          %dma_start3A_537 = tpu.memref_slice %arg7[%dma_start3A_530, %dma_start3A_531, %dma_start3A_536] : memref<2x3x1024xi32, #tpu.memory_space<vmem>> -> memref<1x1x256xi32, #tpu.memory_space<vmem>>
          %dma_start3A_538 = tpu.memref_squeeze %dma_start3A_537 : memref<1x1x256xi32, #tpu.memory_space<vmem>> -> memref<256xi32, #tpu.memory_space<vmem>>
          %dma_start3A_539 = tpu.memref_slice %arg3[%add3A_439] : memref<819200xi32, #tpu.memory_space<hbm>> -> memref<256xi32, #tpu.memory_space<hbm>>
          tpu.enqueue_dma source(%dma_start3A_539 : memref<256xi32, #tpu.memory_space<hbm>>) target(%dma_start3A_538 : memref<256xi32, #tpu.memory_space<vmem>>) target_semaphore(%arg11 : memref<!tpu.dma_semaphore, #tpu.memory_space<semaphore_mem>>)
          %dma_start3A_540 = arith.constant 1 : i32
          %dma_start3A_541 = arith.constant 1 : i32
          %dma_start3A_542 = arith.constant 768 : i32
          %dma_start3A_543 = tpu.memref_slice %arg7[%dma_start3A_540, %dma_start3A_541, %dma_start3A_542] : memref<2x3x1024xi32, #tpu.memory_space<vmem>> -> memref<1x1x256xi32, #tpu.memory_space<vmem>>
          %dma_start3A_544 = tpu.memref_squeeze %dma_start3A_543 : memref<1x1x256xi32, #tpu.memory_space<vmem>> -> memref<256xi32, #tpu.memory_space<vmem>>
          %dma_start3A_545 = tpu.memref_slice %arg4[%add3A_439] : memref<819200xi32, #tpu.memory_space<hbm>> -> memref<256xi32, #tpu.memory_space<hbm>>
          %dma_start3A_546 = arith.constant 768 : i32
          %dma_start3A_547 = tpu.memref_slice %arg7[%dma_start3A_540, %dma_start3A_541, %dma_start3A_546] : memref<2x3x1024xi32, #tpu.memory_space<vmem>> -> memref<1x1x256xi32, #tpu.memory_space<vmem>>
          %dma_start3A_548 = tpu.memref_squeeze %dma_start3A_547 : memref<1x1x256xi32, #tpu.memory_space<vmem>> -> memref<256xi32, #tpu.memory_space<vmem>>
          %dma_start3A_549 = tpu.memref_slice %arg4[%add3A_439] : memref<819200xi32, #tpu.memory_space<hbm>> -> memref<256xi32, #tpu.memory_space<hbm>>
          tpu.enqueue_dma source(%dma_start3A_549 : memref<256xi32, #tpu.memory_space<hbm>>) target(%dma_start3A_548 : memref<256xi32, #tpu.memory_space<vmem>>) target_semaphore(%arg11 : memref<!tpu.dma_semaphore, #tpu.memory_space<semaphore_mem>>)
          %dma_start3A_550 = arith.constant 1 : i32
          %dma_start3A_551 = arith.constant 2 : i32
          %dma_start3A_552 = arith.constant 768 : i32
          %dma_start3A_553 = tpu.memref_slice %arg7[%dma_start3A_550, %dma_start3A_551, %dma_start3A_552] : memref<2x3x1024xi32, #tpu.memory_space<vmem>> -> memref<1x1x256xi32, #tpu.memory_space<vmem>>
          %dma_start3A_554 = tpu.memref_squeeze %dma_start3A_553 : memref<1x1x256xi32, #tpu.memory_space<vmem>> -> memref<256xi32, #tpu.memory_space<vmem>>
          %dma_start3A_555 = tpu.memref_slice %arg5[%add3A_439] : memref<819200xi32, #tpu.memory_space<hbm>> -> memref<256xi32, #tpu.memory_space<hbm>>
          %dma_start3A_556 = arith.constant 768 : i32
          %dma_start3A_557 = tpu.memref_slice %arg7[%dma_start3A_550, %dma_start3A_551, %dma_start3A_556] : memref<2x3x1024xi32, #tpu.memory_space<vmem>> -> memref<1x1x256xi32, #tpu.memory_space<vmem>>
          %dma_start3A_558 = tpu.memref_squeeze %dma_start3A_557 : memref<1x1x256xi32, #tpu.memory_space<vmem>> -> memref<256xi32, #tpu.memory_space<vmem>>
          %dma_start3A_559 = tpu.memref_slice %arg5[%add3A_439] : memref<819200xi32, #tpu.memory_space<hbm>> -> memref<256xi32, #tpu.memory_space<hbm>>
          tpu.enqueue_dma source(%dma_start3A_559 : memref<256xi32, #tpu.memory_space<hbm>>) target(%dma_start3A_558 : memref<256xi32, #tpu.memory_space<vmem>>) target_semaphore(%arg11 : memref<!tpu.dma_semaphore, #tpu.memory_space<semaphore_mem>>)
        } else {
        }
        %mul3A_251 = arith.constant 25 : i32
        %mul3A_252 = arith.muli %add3A, %mul3A_251 : i32
        %add3A_253 = arith.addi %mul3A_252, %add3A_232 : i32
        %shift_right_arithmetic3A_254 = arith.constant 2 : i32
        %shift_right_arithmetic3A_255 = arith.shrsi %add3A_253, %shift_right_arithmetic3A_254 : i32
        %mul3A_256 = arith.constant 4096 : i32
        %mul3A_257 = arith.muli %shift_right_arithmetic3A_255, %mul3A_256 : i32
        %and3A_258 = arith.constant 3 : i32
        %and3A_259 = arith.andi %add3A_253, %and3A_258 : i32
        %mul3A_260 = arith.constant 256 : i32
        %mul3A_261 = arith.muli %and3A_259, %mul3A_260 : i32
        %add3A_262 = arith.addi %mul3A_257, %mul3A_261 : i32
        %add3A_263 = arith.constant 0 : i32
        %add3A_264 = arith.addi %add3A_262, %add3A_263 : i32
        %add3A_265 = arith.constant 1024 : i32
        %add3A_266 = arith.addi %add3A_262, %add3A_265 : i32
        %add3A_267 = arith.constant 2048 : i32
        %add3A_268 = arith.addi %add3A_262, %add3A_267 : i32
        %add3A_269 = arith.constant 3072 : i32
        %add3A_270 = arith.addi %add3A_262, %add3A_269 : i32
        %dma_wait3A_271 = arith.constant 0 : i32
        %dma_wait3A_272 = arith.constant 0 : i32
        %dma_wait3A_273 = arith.constant 0 : i32
        %dma_wait3A_274 = tpu.memref_slice %arg7[%dma_wait3A_271, %dma_wait3A_272, %dma_wait3A_273] : memref<2x3x1024xi32, #tpu.memory_space<vmem>> -> memref<1x1x256xi32, #tpu.memory_space<vmem>>
        %dma_wait3A_275 = tpu.memref_squeeze %dma_wait3A_274 : memref<1x1x256xi32, #tpu.memory_space<vmem>> -> memref<256xi32, #tpu.memory_space<vmem>>
        %dma_wait3A_276 = tpu.memref_slice %arg3[%add3A_264] : memref<819200xi32, #tpu.memory_space<hbm>> -> memref<256xi32, #tpu.memory_space<hbm>>
        %dma_wait3A_277 = arith.constant 0 : i32
        %dma_wait3A_278 = tpu.memref_slice %arg7[%dma_wait3A_271, %dma_wait3A_272, %dma_wait3A_277] : memref<2x3x1024xi32, #tpu.memory_space<vmem>> -> memref<1x1x256xi32, #tpu.memory_space<vmem>>
        %dma_wait3A_279 = tpu.memref_squeeze %dma_wait3A_278 : memref<1x1x256xi32, #tpu.memory_space<vmem>> -> memref<256xi32, #tpu.memory_space<vmem>>
        %dma_wait3A_280 = tpu.memref_slice %arg3[%add3A_264] : memref<819200xi32, #tpu.memory_space<hbm>> -> memref<256xi32, #tpu.memory_space<hbm>>
        tpu.wait_dma2 semaphore(%arg10 : memref<!tpu.dma_semaphore, #tpu.memory_space<semaphore_mem>>) src(%dma_wait3A_280 : memref<256xi32, #tpu.memory_space<hbm>>) dst(%dma_wait3A_279 : memref<256xi32, #tpu.memory_space<vmem>>)
        %dma_wait3A_281 = arith.constant 0 : i32
        %dma_wait3A_282 = arith.constant 1 : i32
        %dma_wait3A_283 = arith.constant 0 : i32
        %dma_wait3A_284 = tpu.memref_slice %arg7[%dma_wait3A_281, %dma_wait3A_282, %dma_wait3A_283] : memref<2x3x1024xi32, #tpu.memory_space<vmem>> -> memref<1x1x256xi32, #tpu.memory_space<vmem>>
        %dma_wait3A_285 = tpu.memref_squeeze %dma_wait3A_284 : memref<1x1x256xi32, #tpu.memory_space<vmem>> -> memref<256xi32, #tpu.memory_space<vmem>>
        %dma_wait3A_286 = tpu.memref_slice %arg4[%add3A_264] : memref<819200xi32, #tpu.memory_space<hbm>> -> memref<256xi32, #tpu.memory_space<hbm>>
        %dma_wait3A_287 = arith.constant 0 : i32
        %dma_wait3A_288 = tpu.memref_slice %arg7[%dma_wait3A_281, %dma_wait3A_282, %dma_wait3A_287] : memref<2x3x1024xi32, #tpu.memory_space<vmem>> -> memref<1x1x256xi32, #tpu.memory_space<vmem>>
        %dma_wait3A_289 = tpu.memref_squeeze %dma_wait3A_288 : memref<1x1x256xi32, #tpu.memory_space<vmem>> -> memref<256xi32, #tpu.memory_space<vmem>>
        %dma_wait3A_290 = tpu.memref_slice %arg4[%add3A_264] : memref<819200xi32, #tpu.memory_space<hbm>> -> memref<256xi32, #tpu.memory_space<hbm>>
        tpu.wait_dma2 semaphore(%arg10 : memref<!tpu.dma_semaphore, #tpu.memory_space<semaphore_mem>>) src(%dma_wait3A_290 : memref<256xi32, #tpu.memory_space<hbm>>) dst(%dma_wait3A_289 : memref<256xi32, #tpu.memory_space<vmem>>)
        %dma_wait3A_291 = arith.constant 0 : i32
        %dma_wait3A_292 = arith.constant 2 : i32
        %dma_wait3A_293 = arith.constant 0 : i32
        %dma_wait3A_294 = tpu.memref_slice %arg7[%dma_wait3A_291, %dma_wait3A_292, %dma_wait3A_293] : memref<2x3x1024xi32, #tpu.memory_space<vmem>> -> memref<1x1x256xi32, #tpu.memory_space<vmem>>
        %dma_wait3A_295 = tpu.memref_squeeze %dma_wait3A_294 : memref<1x1x256xi32, #tpu.memory_space<vmem>> -> memref<256xi32, #tpu.memory_space<vmem>>
        %dma_wait3A_296 = tpu.memref_slice %arg5[%add3A_264] : memref<819200xi32, #tpu.memory_space<hbm>> -> memref<256xi32, #tpu.memory_space<hbm>>
        %dma_wait3A_297 = arith.constant 0 : i32
        %dma_wait3A_298 = tpu.memref_slice %arg7[%dma_wait3A_291, %dma_wait3A_292, %dma_wait3A_297] : memref<2x3x1024xi32, #tpu.memory_space<vmem>> -> memref<1x1x256xi32, #tpu.memory_space<vmem>>
        %dma_wait3A_299 = tpu.memref_squeeze %dma_wait3A_298 : memref<1x1x256xi32, #tpu.memory_space<vmem>> -> memref<256xi32, #tpu.memory_space<vmem>>
        %dma_wait3A_300 = tpu.memref_slice %arg5[%add3A_264] : memref<819200xi32, #tpu.memory_space<hbm>> -> memref<256xi32, #tpu.memory_space<hbm>>
        tpu.wait_dma2 semaphore(%arg10 : memref<!tpu.dma_semaphore, #tpu.memory_space<semaphore_mem>>) src(%dma_wait3A_300 : memref<256xi32, #tpu.memory_space<hbm>>) dst(%dma_wait3A_299 : memref<256xi32, #tpu.memory_space<vmem>>)
        %dma_wait3A_301 = arith.constant 0 : i32
        %dma_wait3A_302 = arith.constant 0 : i32
        %dma_wait3A_303 = arith.constant 256 : i32
        %dma_wait3A_304 = tpu.memref_slice %arg7[%dma_wait3A_301, %dma_wait3A_302, %dma_wait3A_303] : memref<2x3x1024xi32, #tpu.memory_space<vmem>> -> memref<1x1x256xi32, #tpu.memory_space<vmem>>
        %dma_wait3A_305 = tpu.memref_squeeze %dma_wait3A_304 : memref<1x1x256xi32, #tpu.memory_space<vmem>> -> memref<256xi32, #tpu.memory_space<vmem>>
        %dma_wait3A_306 = tpu.memref_slice %arg3[%add3A_266] : memref<819200xi32, #tpu.memory_space<hbm>> -> memref<256xi32, #tpu.memory_space<hbm>>
        %dma_wait3A_307 = arith.constant 256 : i32
        %dma_wait3A_308 = tpu.memref_slice %arg7[%dma_wait3A_301, %dma_wait3A_302, %dma_wait3A_307] : memref<2x3x1024xi32, #tpu.memory_space<vmem>> -> memref<1x1x256xi32, #tpu.memory_space<vmem>>
        %dma_wait3A_309 = tpu.memref_squeeze %dma_wait3A_308 : memref<1x1x256xi32, #tpu.memory_space<vmem>> -> memref<256xi32, #tpu.memory_space<vmem>>
        %dma_wait3A_310 = tpu.memref_slice %arg3[%add3A_266] : memref<819200xi32, #tpu.memory_space<hbm>> -> memref<256xi32, #tpu.memory_space<hbm>>
        tpu.wait_dma2 semaphore(%arg10 : memref<!tpu.dma_semaphore, #tpu.memory_space<semaphore_mem>>) src(%dma_wait3A_310 : memref<256xi32, #tpu.memory_space<hbm>>) dst(%dma_wait3A_309 : memref<256xi32, #tpu.memory_space<vmem>>)
        %dma_wait3A_311 = arith.constant 0 : i32
        %dma_wait3A_312 = arith.constant 1 : i32
        %dma_wait3A_313 = arith.constant 256 : i32
        %dma_wait3A_314 = tpu.memref_slice %arg7[%dma_wait3A_311, %dma_wait3A_312, %dma_wait3A_313] : memref<2x3x1024xi32, #tpu.memory_space<vmem>> -> memref<1x1x256xi32, #tpu.memory_space<vmem>>
        %dma_wait3A_315 = tpu.memref_squeeze %dma_wait3A_314 : memref<1x1x256xi32, #tpu.memory_space<vmem>> -> memref<256xi32, #tpu.memory_space<vmem>>
        %dma_wait3A_316 = tpu.memref_slice %arg4[%add3A_266] : memref<819200xi32, #tpu.memory_space<hbm>> -> memref<256xi32, #tpu.memory_space<hbm>>
        %dma_wait3A_317 = arith.constant 256 : i32
        %dma_wait3A_318 = tpu.memref_slice %arg7[%dma_wait3A_311, %dma_wait3A_312, %dma_wait3A_317] : memref<2x3x1024xi32, #tpu.memory_space<vmem>> -> memref<1x1x256xi32, #tpu.memory_space<vmem>>
        %dma_wait3A_319 = tpu.memref_squeeze %dma_wait3A_318 : memref<1x1x256xi32, #tpu.memory_space<vmem>> -> memref<256xi32, #tpu.memory_space<vmem>>
        %dma_wait3A_320 = tpu.memref_slice %arg4[%add3A_266] : memref<819200xi32, #tpu.memory_space<hbm>> -> memref<256xi32, #tpu.memory_space<hbm>>
        tpu.wait_dma2 semaphore(%arg10 : memref<!tpu.dma_semaphore, #tpu.memory_space<semaphore_mem>>) src(%dma_wait3A_320 : memref<256xi32, #tpu.memory_space<hbm>>) dst(%dma_wait3A_319 : memref<256xi32, #tpu.memory_space<vmem>>)
        %dma_wait3A_321 = arith.constant 0 : i32
        %dma_wait3A_322 = arith.constant 2 : i32
        %dma_wait3A_323 = arith.constant 256 : i32
        %dma_wait3A_324 = tpu.memref_slice %arg7[%dma_wait3A_321, %dma_wait3A_322, %dma_wait3A_323] : memref<2x3x1024xi32, #tpu.memory_space<vmem>> -> memref<1x1x256xi32, #tpu.memory_space<vmem>>
        %dma_wait3A_325 = tpu.memref_squeeze %dma_wait3A_324 : memref<1x1x256xi32, #tpu.memory_space<vmem>> -> memref<256xi32, #tpu.memory_space<vmem>>
        %dma_wait3A_326 = tpu.memref_slice %arg5[%add3A_266] : memref<819200xi32, #tpu.memory_space<hbm>> -> memref<256xi32, #tpu.memory_space<hbm>>
        %dma_wait3A_327 = arith.constant 256 : i32
        %dma_wait3A_328 = tpu.memref_slice %arg7[%dma_wait3A_321, %dma_wait3A_322, %dma_wait3A_327] : memref<2x3x1024xi32, #tpu.memory_space<vmem>> -> memref<1x1x256xi32, #tpu.memory_space<vmem>>
        %dma_wait3A_329 = tpu.memref_squeeze %dma_wait3A_328 : memref<1x1x256xi32, #tpu.memory_space<vmem>> -> memref<256xi32, #tpu.memory_space<vmem>>
        %dma_wait3A_330 = tpu.memref_slice %arg5[%add3A_266] : memref<819200xi32, #tpu.memory_space<hbm>> -> memref<256xi32, #tpu.memory_space<hbm>>
        tpu.wait_dma2 semaphore(%arg10 : memref<!tpu.dma_semaphore, #tpu.memory_space<semaphore_mem>>) src(%dma_wait3A_330 : memref<256xi32, #tpu.memory_space<hbm>>) dst(%dma_wait3A_329 : memref<256xi32, #tpu.memory_space<vmem>>)
        %dma_wait3A_331 = arith.constant 0 : i32
        %dma_wait3A_332 = arith.constant 0 : i32
        %dma_wait3A_333 = arith.constant 512 : i32
        %dma_wait3A_334 = tpu.memref_slice %arg7[%dma_wait3A_331, %dma_wait3A_332, %dma_wait3A_333] : memref<2x3x1024xi32, #tpu.memory_space<vmem>> -> memref<1x1x256xi32, #tpu.memory_space<vmem>>
        %dma_wait3A_335 = tpu.memref_squeeze %dma_wait3A_334 : memref<1x1x256xi32, #tpu.memory_space<vmem>> -> memref<256xi32, #tpu.memory_space<vmem>>
        %dma_wait3A_336 = tpu.memref_slice %arg3[%add3A_268] : memref<819200xi32, #tpu.memory_space<hbm>> -> memref<256xi32, #tpu.memory_space<hbm>>
        %dma_wait3A_337 = arith.constant 512 : i32
        %dma_wait3A_338 = tpu.memref_slice %arg7[%dma_wait3A_331, %dma_wait3A_332, %dma_wait3A_337] : memref<2x3x1024xi32, #tpu.memory_space<vmem>> -> memref<1x1x256xi32, #tpu.memory_space<vmem>>
        %dma_wait3A_339 = tpu.memref_squeeze %dma_wait3A_338 : memref<1x1x256xi32, #tpu.memory_space<vmem>> -> memref<256xi32, #tpu.memory_space<vmem>>
        %dma_wait3A_340 = tpu.memref_slice %arg3[%add3A_268] : memref<819200xi32, #tpu.memory_space<hbm>> -> memref<256xi32, #tpu.memory_space<hbm>>
        tpu.wait_dma2 semaphore(%arg10 : memref<!tpu.dma_semaphore, #tpu.memory_space<semaphore_mem>>) src(%dma_wait3A_340 : memref<256xi32, #tpu.memory_space<hbm>>) dst(%dma_wait3A_339 : memref<256xi32, #tpu.memory_space<vmem>>)
        %dma_wait3A_341 = arith.constant 0 : i32
        %dma_wait3A_342 = arith.constant 1 : i32
        %dma_wait3A_343 = arith.constant 512 : i32
        %dma_wait3A_344 = tpu.memref_slice %arg7[%dma_wait3A_341, %dma_wait3A_342, %dma_wait3A_343] : memref<2x3x1024xi32, #tpu.memory_space<vmem>> -> memref<1x1x256xi32, #tpu.memory_space<vmem>>
        %dma_wait3A_345 = tpu.memref_squeeze %dma_wait3A_344 : memref<1x1x256xi32, #tpu.memory_space<vmem>> -> memref<256xi32, #tpu.memory_space<vmem>>
        %dma_wait3A_346 = tpu.memref_slice %arg4[%add3A_268] : memref<819200xi32, #tpu.memory_space<hbm>> -> memref<256xi32, #tpu.memory_space<hbm>>
        %dma_wait3A_347 = arith.constant 512 : i32
        %dma_wait3A_348 = tpu.memref_slice %arg7[%dma_wait3A_341, %dma_wait3A_342, %dma_wait3A_347] : memref<2x3x1024xi32, #tpu.memory_space<vmem>> -> memref<1x1x256xi32, #tpu.memory_space<vmem>>
        %dma_wait3A_349 = tpu.memref_squeeze %dma_wait3A_348 : memref<1x1x256xi32, #tpu.memory_space<vmem>> -> memref<256xi32, #tpu.memory_space<vmem>>
        %dma_wait3A_350 = tpu.memref_slice %arg4[%add3A_268] : memref<819200xi32, #tpu.memory_space<hbm>> -> memref<256xi32, #tpu.memory_space<hbm>>
        tpu.wait_dma2 semaphore(%arg10 : memref<!tpu.dma_semaphore, #tpu.memory_space<semaphore_mem>>) src(%dma_wait3A_350 : memref<256xi32, #tpu.memory_space<hbm>>) dst(%dma_wait3A_349 : memref<256xi32, #tpu.memory_space<vmem>>)
        %dma_wait3A_351 = arith.constant 0 : i32
        %dma_wait3A_352 = arith.constant 2 : i32
        %dma_wait3A_353 = arith.constant 512 : i32
        %dma_wait3A_354 = tpu.memref_slice %arg7[%dma_wait3A_351, %dma_wait3A_352, %dma_wait3A_353] : memref<2x3x1024xi32, #tpu.memory_space<vmem>> -> memref<1x1x256xi32, #tpu.memory_space<vmem>>
        %dma_wait3A_355 = tpu.memref_squeeze %dma_wait3A_354 : memref<1x1x256xi32, #tpu.memory_space<vmem>> -> memref<256xi32, #tpu.memory_space<vmem>>
        %dma_wait3A_356 = tpu.memref_slice %arg5[%add3A_268] : memref<819200xi32, #tpu.memory_space<hbm>> -> memref<256xi32, #tpu.memory_space<hbm>>
        %dma_wait3A_357 = arith.constant 512 : i32
        %dma_wait3A_358 = tpu.memref_slice %arg7[%dma_wait3A_351, %dma_wait3A_352, %dma_wait3A_357] : memref<2x3x1024xi32, #tpu.memory_space<vmem>> -> memref<1x1x256xi32, #tpu.memory_space<vmem>>
        %dma_wait3A_359 = tpu.memref_squeeze %dma_wait3A_358 : memref<1x1x256xi32, #tpu.memory_space<vmem>> -> memref<256xi32, #tpu.memory_space<vmem>>
        %dma_wait3A_360 = tpu.memref_slice %arg5[%add3A_268] : memref<819200xi32, #tpu.memory_space<hbm>> -> memref<256xi32, #tpu.memory_space<hbm>>
        tpu.wait_dma2 semaphore(%arg10 : memref<!tpu.dma_semaphore, #tpu.memory_space<semaphore_mem>>) src(%dma_wait3A_360 : memref<256xi32, #tpu.memory_space<hbm>>) dst(%dma_wait3A_359 : memref<256xi32, #tpu.memory_space<vmem>>)
        %dma_wait3A_361 = arith.constant 0 : i32
        %dma_wait3A_362 = arith.constant 0 : i32
        %dma_wait3A_363 = arith.constant 768 : i32
        %dma_wait3A_364 = tpu.memref_slice %arg7[%dma_wait3A_361, %dma_wait3A_362, %dma_wait3A_363] : memref<2x3x1024xi32, #tpu.memory_space<vmem>> -> memref<1x1x256xi32, #tpu.memory_space<vmem>>
        %dma_wait3A_365 = tpu.memref_squeeze %dma_wait3A_364 : memref<1x1x256xi32, #tpu.memory_space<vmem>> -> memref<256xi32, #tpu.memory_space<vmem>>
        %dma_wait3A_366 = tpu.memref_slice %arg3[%add3A_270] : memref<819200xi32, #tpu.memory_space<hbm>> -> memref<256xi32, #tpu.memory_space<hbm>>
        %dma_wait3A_367 = arith.constant 768 : i32
        %dma_wait3A_368 = tpu.memref_slice %arg7[%dma_wait3A_361, %dma_wait3A_362, %dma_wait3A_367] : memref<2x3x1024xi32, #tpu.memory_space<vmem>> -> memref<1x1x256xi32, #tpu.memory_space<vmem>>
        %dma_wait3A_369 = tpu.memref_squeeze %dma_wait3A_368 : memref<1x1x256xi32, #tpu.memory_space<vmem>> -> memref<256xi32, #tpu.memory_space<vmem>>
        %dma_wait3A_370 = tpu.memref_slice %arg3[%add3A_270] : memref<819200xi32, #tpu.memory_space<hbm>> -> memref<256xi32, #tpu.memory_space<hbm>>
        tpu.wait_dma2 semaphore(%arg10 : memref<!tpu.dma_semaphore, #tpu.memory_space<semaphore_mem>>) src(%dma_wait3A_370 : memref<256xi32, #tpu.memory_space<hbm>>) dst(%dma_wait3A_369 : memref<256xi32, #tpu.memory_space<vmem>>)
        %dma_wait3A_371 = arith.constant 0 : i32
        %dma_wait3A_372 = arith.constant 1 : i32
        %dma_wait3A_373 = arith.constant 768 : i32
        %dma_wait3A_374 = tpu.memref_slice %arg7[%dma_wait3A_371, %dma_wait3A_372, %dma_wait3A_373] : memref<2x3x1024xi32, #tpu.memory_space<vmem>> -> memref<1x1x256xi32, #tpu.memory_space<vmem>>
        %dma_wait3A_375 = tpu.memref_squeeze %dma_wait3A_374 : memref<1x1x256xi32, #tpu.memory_space<vmem>> -> memref<256xi32, #tpu.memory_space<vmem>>
        %dma_wait3A_376 = tpu.memref_slice %arg4[%add3A_270] : memref<819200xi32, #tpu.memory_space<hbm>> -> memref<256xi32, #tpu.memory_space<hbm>>
        %dma_wait3A_377 = arith.constant 768 : i32
        %dma_wait3A_378 = tpu.memref_slice %arg7[%dma_wait3A_371, %dma_wait3A_372, %dma_wait3A_377] : memref<2x3x1024xi32, #tpu.memory_space<vmem>> -> memref<1x1x256xi32, #tpu.memory_space<vmem>>
        %dma_wait3A_379 = tpu.memref_squeeze %dma_wait3A_378 : memref<1x1x256xi32, #tpu.memory_space<vmem>> -> memref<256xi32, #tpu.memory_space<vmem>>
        %dma_wait3A_380 = tpu.memref_slice %arg4[%add3A_270] : memref<819200xi32, #tpu.memory_space<hbm>> -> memref<256xi32, #tpu.memory_space<hbm>>
        tpu.wait_dma2 semaphore(%arg10 : memref<!tpu.dma_semaphore, #tpu.memory_space<semaphore_mem>>) src(%dma_wait3A_380 : memref<256xi32, #tpu.memory_space<hbm>>) dst(%dma_wait3A_379 : memref<256xi32, #tpu.memory_space<vmem>>)
        %dma_wait3A_381 = arith.constant 0 : i32
        %dma_wait3A_382 = arith.constant 2 : i32
        %dma_wait3A_383 = arith.constant 768 : i32
        %dma_wait3A_384 = tpu.memref_slice %arg7[%dma_wait3A_381, %dma_wait3A_382, %dma_wait3A_383] : memref<2x3x1024xi32, #tpu.memory_space<vmem>> -> memref<1x1x256xi32, #tpu.memory_space<vmem>>
        %dma_wait3A_385 = tpu.memref_squeeze %dma_wait3A_384 : memref<1x1x256xi32, #tpu.memory_space<vmem>> -> memref<256xi32, #tpu.memory_space<vmem>>
        %dma_wait3A_386 = tpu.memref_slice %arg5[%add3A_270] : memref<819200xi32, #tpu.memory_space<hbm>> -> memref<256xi32, #tpu.memory_space<hbm>>
        %dma_wait3A_387 = arith.constant 768 : i32
        %dma_wait3A_388 = tpu.memref_slice %arg7[%dma_wait3A_381, %dma_wait3A_382, %dma_wait3A_387] : memref<2x3x1024xi32, #tpu.memory_space<vmem>> -> memref<1x1x256xi32, #tpu.memory_space<vmem>>
        %dma_wait3A_389 = tpu.memref_squeeze %dma_wait3A_388 : memref<1x1x256xi32, #tpu.memory_space<vmem>> -> memref<256xi32, #tpu.memory_space<vmem>>
        %dma_wait3A_390 = tpu.memref_slice %arg5[%add3A_270] : memref<819200xi32, #tpu.memory_space<hbm>> -> memref<256xi32, #tpu.memory_space<hbm>>
        tpu.wait_dma2 semaphore(%arg10 : memref<!tpu.dma_semaphore, #tpu.memory_space<semaphore_mem>>) src(%dma_wait3A_390 : memref<256xi32, #tpu.memory_space<hbm>>) dst(%dma_wait3A_389 : memref<256xi32, #tpu.memory_space<vmem>>)
        %ge3A = arith.constant 2 : i32
        %ge3A_391 = arith.cmpi sge, %add3A_232, %ge3A : i32
        %convert_element_type3A_392 = arith.extui %ge3A_391 : i1 to i32
        %cond3A_393 = arith.constant 0 : i32
        %cond3A_394 = arith.cmpi ne, %convert_element_type3A_392, %cond3A_393 : i32
        scf.if %cond3A_394 {
          %sub3A = arith.constant 2 : i32
          %sub3A_418 = arith.subi %add3A_232, %sub3A : i32
          %mul3A_419 = arith.constant 25 : i32
          %mul3A_420 = arith.muli %add3A, %mul3A_419 : i32
          %add3A_421 = arith.addi %mul3A_420, %sub3A_418 : i32
          %mul3A_422 = arith.constant 2 : i32
          %mul3A_423 = arith.muli %mul3A_422, %add3A_421 : i32
          %mul3A_424 = arith.constant 1024 : i32
          %mul3A_425 = arith.muli %mul3A_423, %mul3A_424 : i32
          %dma_wait3A_426 = arith.constant 0 : i32
          %dma_wait3A_427 = arith.constant 0 : i32
          %dma_wait3A_428 = arith.constant 0 : i32
          %dma_wait3A_429 = tpu.memref_slice %arg9[%dma_wait3A_426, %dma_wait3A_427, %dma_wait3A_428] : memref<2x2048x16xf32, #tpu.memory_space<vmem>> -> memref<1x2048x16xf32, #tpu.memory_space<vmem>>
          %dma_wait3A_430 = tpu.memref_squeeze %dma_wait3A_429 : memref<1x2048x16xf32, #tpu.memory_space<vmem>> -> memref<2048x16xf32, #tpu.memory_space<vmem>>
          %dma_wait3A_431 = arith.constant 0 : i32
          %dma_wait3A_432 = tpu.memref_slice %arg6[%mul3A_425, %dma_wait3A_431] : memref<1638400x16xf32, #tpu.memory_space<hbm>> -> memref<2048x16xf32, #tpu.memory_space<hbm>>
          %dma_wait3A_433 = arith.constant 0 : i32
          %dma_wait3A_434 = tpu.memref_slice %arg6[%mul3A_425, %dma_wait3A_433] : memref<1638400x16xf32, #tpu.memory_space<hbm>> -> memref<2048x16xf32, #tpu.memory_space<hbm>>
          %dma_wait3A_435 = arith.constant 0 : i32
          %dma_wait3A_436 = arith.constant 0 : i32
          %dma_wait3A_437 = tpu.memref_slice %arg9[%dma_wait3A_426, %dma_wait3A_435, %dma_wait3A_436] : memref<2x2048x16xf32, #tpu.memory_space<vmem>> -> memref<1x2048x16xf32, #tpu.memory_space<vmem>>
          %dma_wait3A_438 = tpu.memref_squeeze %dma_wait3A_437 : memref<1x2048x16xf32, #tpu.memory_space<vmem>> -> memref<2048x16xf32, #tpu.memory_space<vmem>>
          tpu.wait_dma2 semaphore(%arg13 : memref<!tpu.dma_semaphore, #tpu.memory_space<semaphore_mem>>) src(%dma_wait3A_438 : memref<2048x16xf32, #tpu.memory_space<vmem>>) dst(%dma_wait3A_434 : memref<2048x16xf32, #tpu.memory_space<hbm>>)
        } else {
        }
        %scan3A_395 = arith.constant 0 : i32
        %scan3A_396 = arith.constant 0 : i32
        %scan3A_397 = arith.constant 64 : i32
        %scan3A_398 = arith.addi %scan3A_396, %scan3A_397 : i32
        %scan3A_399 = arith.constant 1 : i32
        scf.for %scan3A_418 = %scan3A_396 to %scan3A_398 step %scan3A_399  : i32 {
          %mul3A_419 = arith.constant 4 : i32
          %mul3A_420 = arith.muli %mul3A_419, %scan3A_418 : i32
          %add3A_421 = vector.broadcast %mul3A_420 : i32 to vector<16xi32>
          %add3A_422 = arith.addi %add3A_8, %add3A_421 : vector<16xi32>
          %gather3A = arith.constant 0 : i32
          %gather3A_423 = arith.constant 2 : i32
          %gather3A_424 = arith.constant 0 : i32
          %gather3A_425 = tpu.memref_slice %arg7[%gather3A, %gather3A_423, %gather3A_424] : memref<2x3x1024xi32, #tpu.memory_space<vmem>> -> memref<1x1x1024xi32, #tpu.memory_space<vmem>>
          %gather3A_426 = tpu.memref_squeeze %gather3A_425 : memref<1x1x1024xi32, #tpu.memory_space<vmem>> -> memref<1024xi32, #tpu.memory_space<vmem>>
          %gather3A_427 = tpu.vector_load_idx %gather3A_426[%add3A_422] : memref<1024xi32, #tpu.memory_space<vmem>>[vector<16xi32>], vector<16xi32>,
          %mul3A_428 = arith.constant 8 : i32
          %mul3A_429 = vector.broadcast %mul3A_428 : i32 to vector<16xi32>
          %mul3A_430 = arith.muli %gather3A_427, %mul3A_429 : vector<16xi32>
          %gather3A_431 = arith.constant 0 : i32
          %gather3A_432 = arith.constant 0 : i32
          %gather3A_433 = arith.constant 0 : i32
          %gather3A_434 = tpu.memref_slice %arg7[%gather3A_431, %gather3A_432, %gather3A_433] : memref<2x3x1024xi32, #tpu.memory_space<vmem>> -> memref<1x1x1024xi32, #tpu.memory_space<vmem>>
          %gather3A_435 = tpu.memref_squeeze %gather3A_434 : memref<1x1x1024xi32, #tpu.memory_space<vmem>> -> memref<1024xi32, #tpu.memory_space<vmem>>
          %gather3A_436 = tpu.vector_load_idx %gather3A_435[%add3A_422] : memref<1024xi32, #tpu.memory_space<vmem>>[vector<16xi32>], vector<16xi32>,
          %gather3A_437 = arith.constant 0 : i32
          %gather3A_438 = arith.constant 1 : i32
          %gather3A_439 = arith.constant 0 : i32
          %gather3A_440 = tpu.memref_slice %arg7[%gather3A_437, %gather3A_438, %gather3A_439] : memref<2x3x1024xi32, #tpu.memory_space<vmem>> -> memref<1x1x1024xi32, #tpu.memory_space<vmem>>
          %gather3A_441 = tpu.memref_squeeze %gather3A_440 : memref<1x1x1024xi32, #tpu.memory_space<vmem>> -> memref<1024xi32, #tpu.memory_space<vmem>>
          %gather3A_442 = tpu.vector_load_idx %gather3A_441[%add3A_422] : memref<1024xi32, #tpu.memory_space<vmem>>[vector<16xi32>], vector<16xi32>,
          %add3A_443 = arith.constant 12 : i32
          %add3A_444 = vector.broadcast %add3A_443 : i32 to vector<16xi32>
          %add3A_445 = arith.addi %gather3A_442, %add3A_444 : vector<16xi32>
          %shift_right_arithmetic3A_446 = arith.constant 3 : i32
          %shift_right_arithmetic3A_447 = vector.broadcast %shift_right_arithmetic3A_446 : i32 to vector<16xi32>
          %shift_right_arithmetic3A_448 = arith.shrsi %gather3A_436, %shift_right_arithmetic3A_447 : vector<16xi32>
          %mul3A_449 = arith.constant 819200 : i32
          %mul3A_450 = vector.broadcast %mul3A_449 : i32 to vector<16xi32>
          %mul3A_451 = arith.muli %shift_right_arithmetic3A_448, %mul3A_450 : vector<16xi32>
          %add3A_452 = arith.addi %mul3A_451, %mul3A_430 : vector<16xi32>
          %and3A_453 = arith.constant 7 : i32
          %and3A_454 = vector.broadcast %and3A_453 : i32 to vector<16xi32>
          %and3A_455 = arith.andi %gather3A_436, %and3A_454 : vector<16xi32>
          %add3A_456 = arith.addi %add3A_452, %and3A_455 : vector<16xi32>
          %shift_right_arithmetic3A_457 = arith.constant 3 : i32
          %shift_right_arithmetic3A_458 = vector.broadcast %shift_right_arithmetic3A_457 : i32 to vector<16xi32>
          %shift_right_arithmetic3A_459 = arith.shrsi %add3A_445, %shift_right_arithmetic3A_458 : vector<16xi32>
          %mul3A_460 = arith.constant 819200 : i32
          %mul3A_461 = vector.broadcast %mul3A_460 : i32 to vector<16xi32>
          %mul3A_462 = arith.muli %shift_right_arithmetic3A_459, %mul3A_461 : vector<16xi32>
          %add3A_463 = arith.addi %mul3A_462, %mul3A_430 : vector<16xi32>
          %and3A_464 = arith.constant 7 : i32
          %and3A_465 = vector.broadcast %and3A_464 : i32 to vector<16xi32>
          %and3A_466 = arith.andi %add3A_445, %and3A_465 : vector<16xi32>
          %add3A_467 = arith.addi %add3A_463, %and3A_466 : vector<16xi32>
          %mul3A_468 = arith.constant 2 : i32
          %mul3A_469 = vector.broadcast %mul3A_468 : i32 to vector<16xi32>
          %mul3A_470 = arith.muli %iota3A, %mul3A_469 : vector<16xi32>
          %mul3A_471 = arith.constant 32 : i32
          %mul3A_472 = arith.muli %scan3A_418, %mul3A_471 : i32
          %add3A_473 = vector.broadcast %mul3A_472 : i32 to vector<16xi32>
          %add3A_474 = arith.addi %mul3A_470, %add3A_473 : vector<16xi32>
          %scatter3A = arith.constant 0 : i32
          %scatter3A_475 = arith.constant 0 : i32
          %scatter3A_476 = tpu.memref_slice %arg8[%scatter3A, %scatter3A_475] : memref<2x2048xi32, #tpu.memory_space<vmem>> -> memref<1x2048xi32, #tpu.memory_space<vmem>>
          %scatter3A_477 = tpu.memref_squeeze %scatter3A_476 : memref<1x2048xi32, #tpu.memory_space<vmem>> -> memref<2048xi32, #tpu.memory_space<vmem>>
          tpu.vector_store_idx %scatter3A_477[%add3A_474], %add3A_456 : memref<2048xi32, #tpu.memory_space<vmem>>[vector<16xi32>], vector<16xi32>,
          %add3A_478 = arith.constant 1 : i32
          %add3A_479 = vector.broadcast %add3A_478 : i32 to vector<16xi32>
          %add3A_480 = arith.addi %add3A_474, %add3A_479 : vector<16xi32>
          %scatter3A_481 = arith.constant 0 : i32
          %scatter3A_482 = arith.constant 0 : i32
          %scatter3A_483 = tpu.memref_slice %arg8[%scatter3A_481, %scatter3A_482] : memref<2x2048xi32, #tpu.memory_space<vmem>> -> memref<1x2048xi32, #tpu.memory_space<vmem>>
          %scatter3A_484 = tpu.memref_squeeze %scatter3A_483 : memref<1x2048xi32, #tpu.memory_space<vmem>> -> memref<2048xi32, #tpu.memory_space<vmem>>
          tpu.vector_store_idx %scatter3A_484[%add3A_480], %add3A_467 : memref<2048xi32, #tpu.memory_space<vmem>>[vector<16xi32>], vector<16xi32>,
        }
        %scan3A_400 = arith.constant 64 : i32
        %dma_start3A_401 = arith.constant 0 : i32
        %dma_start3A_402 = arith.constant 0 : i32
        %dma_start3A_403 = arith.constant 0 : i32
        %dma_start3A_404 = arith.constant 0 : i32
        %dma_start3A_405 = tpu.memref_slice %arg9[%dma_start3A_402, %dma_start3A_403, %dma_start3A_404] : memref<2x2048x16xf32, #tpu.memory_space<vmem>> -> memref<1x2048x16xf32, #tpu.memory_space<vmem>>
        %dma_start3A_406 = tpu.memref_squeeze %dma_start3A_405 : memref<1x2048x16xf32, #tpu.memory_space<vmem>> -> memref<2048x16xf32, #tpu.memory_space<vmem>>
        %dma_start3A_407 = arith.constant 0 : i32
        %dma_start3A_408 = tpu.memref_slice %arg8[%dma_start3A_401, %dma_start3A_407] : memref<2x2048xi32, #tpu.memory_space<vmem>> -> memref<1x2048xi32, #tpu.memory_space<vmem>>
        %dma_start3A_409 = tpu.memref_squeeze %dma_start3A_408 : memref<1x2048xi32, #tpu.memory_space<vmem>> -> memref<2048xi32, #tpu.memory_space<vmem>>
        %dma_start3A_410 = arith.constant 0 : i32
        %dma_start3A_411 = arith.constant 0 : i32
        %dma_start3A_412 = tpu.memref_slice %arg2[%dma_start3A_410, %dma_start3A_411] : memref<2457600x16xf32, #tpu.memory_space<hbm>> -> memref<2457600x16xf32, #tpu.memory_space<hbm>>
        tpu.enqueue_indirect_dma source(%dma_start3A_412 : memref<2457600x16xf32, #tpu.memory_space<hbm>>) target(%dma_start3A_406 : memref<2048x16xf32, #tpu.memory_space<vmem>>) offsets(%dma_start3A_409 : memref<2048xi32, #tpu.memory_space<vmem>>) semaphore(%arg12 : memref<!tpu.dma_semaphore, #tpu.memory_space<semaphore_mem>>)
        %ge3A_413 = arith.constant 1 : i32
        %ge3A_414 = arith.cmpi sge, %add3A_232, %ge3A_413 : i32
        %convert_element_type3A_415 = arith.extui %ge3A_414 : i1 to i32
        %cond3A_416 = arith.constant 0 : i32
        %cond3A_417 = arith.cmpi ne, %convert_element_type3A_415, %cond3A_416 : i32
        scf.if %cond3A_417 {
          %dma_wait3A_418 = arith.constant 1 : i32
          %dma_wait3A_419 = arith.constant 1 : i32
          %dma_wait3A_420 = arith.constant 0 : i32
          %dma_wait3A_421 = arith.constant 0 : i32
          %dma_wait3A_422 = tpu.memref_slice %arg9[%dma_wait3A_419, %dma_wait3A_420, %dma_wait3A_421] : memref<2x2048x16xf32, #tpu.memory_space<vmem>> -> memref<1x2048x16xf32, #tpu.memory_space<vmem>>
          %dma_wait3A_423 = tpu.memref_squeeze %dma_wait3A_422 : memref<1x2048x16xf32, #tpu.memory_space<vmem>> -> memref<2048x16xf32, #tpu.memory_space<vmem>>
          %dma_wait3A_424 = arith.constant 0 : i32
          %dma_wait3A_425 = tpu.memref_slice %arg8[%dma_wait3A_418, %dma_wait3A_424] : memref<2x2048xi32, #tpu.memory_space<vmem>> -> memref<1x2048xi32, #tpu.memory_space<vmem>>
          %dma_wait3A_426 = tpu.memref_squeeze %dma_wait3A_425 : memref<1x2048xi32, #tpu.memory_space<vmem>> -> memref<2048xi32, #tpu.memory_space<vmem>>
          %dma_wait3A_427 = arith.constant 0 : i32
          %dma_wait3A_428 = arith.constant 0 : i32
          %dma_wait3A_429 = tpu.memref_slice %arg2[%dma_wait3A_427, %dma_wait3A_428] : memref<2457600x16xf32, #tpu.memory_space<hbm>> -> memref<2457600x16xf32, #tpu.memory_space<hbm>>
          tpu.wait_indirect_dma semaphore(%arg12 : memref<!tpu.dma_semaphore, #tpu.memory_space<semaphore_mem>>) src(%dma_wait3A_429 : memref<2457600x16xf32, #tpu.memory_space<hbm>>) dst(%dma_wait3A_423 : memref<2048x16xf32, #tpu.memory_space<vmem>>)
          %sub3A = arith.constant 1 : i32
          %sub3A_430 = arith.subi %add3A_232, %sub3A : i32
          %mul3A_431 = arith.constant 25 : i32
          %mul3A_432 = arith.muli %add3A, %mul3A_431 : i32
          %add3A_433 = arith.addi %mul3A_432, %sub3A_430 : i32
          %mul3A_434 = arith.constant 2 : i32
          %mul3A_435 = arith.muli %mul3A_434, %add3A_433 : i32
          %mul3A_436 = arith.constant 1024 : i32
          %mul3A_437 = arith.muli %mul3A_435, %mul3A_436 : i32
          %dma_start3A_438 = arith.constant 1 : i32
          %dma_start3A_439 = arith.constant 0 : i32
          %dma_start3A_440 = arith.constant 0 : i32
          %dma_start3A_441 = tpu.memref_slice %arg9[%dma_start3A_438, %dma_start3A_439, %dma_start3A_440] : memref<2x2048x16xf32, #tpu.memory_space<vmem>> -> memref<1x2048x16xf32, #tpu.memory_space<vmem>>
          %dma_start3A_442 = tpu.memref_squeeze %dma_start3A_441 : memref<1x2048x16xf32, #tpu.memory_space<vmem>> -> memref<2048x16xf32, #tpu.memory_space<vmem>>
          %dma_start3A_443 = arith.constant 0 : i32
          %dma_start3A_444 = tpu.memref_slice %arg6[%mul3A_437, %dma_start3A_443] : memref<1638400x16xf32, #tpu.memory_space<hbm>> -> memref<2048x16xf32, #tpu.memory_space<hbm>>
          %dma_start3A_445 = arith.constant 0 : i32
          %dma_start3A_446 = tpu.memref_slice %arg6[%mul3A_437, %dma_start3A_445] : memref<1638400x16xf32, #tpu.memory_space<hbm>> -> memref<2048x16xf32, #tpu.memory_space<hbm>>
          %dma_start3A_447 = arith.constant 0 : i32
          %dma_start3A_448 = arith.constant 0 : i32
          %dma_start3A_449 = tpu.memref_slice %arg9[%dma_start3A_438, %dma_start3A_447, %dma_start3A_448] : memref<2x2048x16xf32, #tpu.memory_space<vmem>> -> memref<1x2048x16xf32, #tpu.memory_space<vmem>>
          %dma_start3A_450 = tpu.memref_squeeze %dma_start3A_449 : memref<1x2048x16xf32, #tpu.memory_space<vmem>> -> memref<2048x16xf32, #tpu.memory_space<vmem>>
          tpu.enqueue_dma source(%dma_start3A_450 : memref<2048x16xf32, #tpu.memory_space<vmem>>) target(%dma_start3A_446 : memref<2048x16xf32, #tpu.memory_space<hbm>>) target_semaphore(%arg13 : memref<!tpu.dma_semaphore, #tpu.memory_space<semaphore_mem>>)
        } else {
        }
      } else {
      }
      %mul3A_235 = arith.constant 2 : i32
      %mul3A_236 = arith.muli %mul3A_235, %scan3A_228 : i32
      %add3A_237 = arith.constant 1 : i32
      %add3A_238 = arith.addi %mul3A_236, %add3A_237 : i32
      %lt3A_239 = arith.constant 25 : i32
      %lt3A_240 = arith.cmpi slt, %add3A_238, %lt3A_239 : i32
      %convert_element_type3A_241 = arith.extui %lt3A_240 : i1 to i32
      %cond3A_242 = arith.constant 0 : i32
      %cond3A_243 = arith.cmpi ne, %convert_element_type3A_241, %cond3A_242 : i32
      scf.if %cond3A_243 {
        %add3A_244 = arith.constant 1 : i32
        %add3A_245 = arith.addi %add3A_238, %add3A_244 : i32
        %lt3A_246 = arith.constant 25 : i32
        %lt3A_247 = arith.cmpi slt, %add3A_245, %lt3A_246 : i32
        %convert_element_type3A_248 = arith.extui %lt3A_247 : i1 to i32
        %cond3A_249 = arith.constant 0 : i32
        %cond3A_250 = arith.cmpi ne, %convert_element_type3A_248, %cond3A_249 : i32
        scf.if %cond3A_250 {
          %add3A_418 = arith.constant 1 : i32
          %add3A_419 = arith.addi %add3A_238, %add3A_418 : i32
          %mul3A_420 = arith.constant 25 : i32
          %mul3A_421 = arith.muli %add3A, %mul3A_420 : i32
          %add3A_422 = arith.addi %mul3A_421, %add3A_419 : i32
          %shift_right_arithmetic3A_423 = arith.constant 2 : i32
          %shift_right_arithmetic3A_424 = arith.shrsi %add3A_422, %shift_right_arithmetic3A_423 : i32
          %mul3A_425 = arith.constant 4096 : i32
          %mul3A_426 = arith.muli %shift_right_arithmetic3A_424, %mul3A_425 : i32
          %and3A_427 = arith.constant 3 : i32
          %and3A_428 = arith.andi %add3A_422, %and3A_427 : i32
          %mul3A_429 = arith.constant 256 : i32
          %mul3A_430 = arith.muli %and3A_428, %mul3A_429 : i32
          %add3A_431 = arith.addi %mul3A_426, %mul3A_430 : i32
          %add3A_432 = arith.constant 0 : i32
          %add3A_433 = arith.addi %add3A_431, %add3A_432 : i32
          %add3A_434 = arith.constant 1024 : i32
          %add3A_435 = arith.addi %add3A_431, %add3A_434 : i32
          %add3A_436 = arith.constant 2048 : i32
          %add3A_437 = arith.addi %add3A_431, %add3A_436 : i32
          %add3A_438 = arith.constant 3072 : i32
          %add3A_439 = arith.addi %add3A_431, %add3A_438 : i32
          %dma_start3A_440 = arith.constant 0 : i32
          %dma_start3A_441 = arith.constant 0 : i32
          %dma_start3A_442 = arith.constant 0 : i32
          %dma_start3A_443 = tpu.memref_slice %arg7[%dma_start3A_440, %dma_start3A_441, %dma_start3A_442] : memref<2x3x1024xi32, #tpu.memory_space<vmem>> -> memref<1x1x256xi32, #tpu.memory_space<vmem>>
          %dma_start3A_444 = tpu.memref_squeeze %dma_start3A_443 : memref<1x1x256xi32, #tpu.memory_space<vmem>> -> memref<256xi32, #tpu.memory_space<vmem>>
          %dma_start3A_445 = tpu.memref_slice %arg3[%add3A_433] : memref<819200xi32, #tpu.memory_space<hbm>> -> memref<256xi32, #tpu.memory_space<hbm>>
          %dma_start3A_446 = arith.constant 0 : i32
          %dma_start3A_447 = tpu.memref_slice %arg7[%dma_start3A_440, %dma_start3A_441, %dma_start3A_446] : memref<2x3x1024xi32, #tpu.memory_space<vmem>> -> memref<1x1x256xi32, #tpu.memory_space<vmem>>
          %dma_start3A_448 = tpu.memref_squeeze %dma_start3A_447 : memref<1x1x256xi32, #tpu.memory_space<vmem>> -> memref<256xi32, #tpu.memory_space<vmem>>
          %dma_start3A_449 = tpu.memref_slice %arg3[%add3A_433] : memref<819200xi32, #tpu.memory_space<hbm>> -> memref<256xi32, #tpu.memory_space<hbm>>
          tpu.enqueue_dma source(%dma_start3A_449 : memref<256xi32, #tpu.memory_space<hbm>>) target(%dma_start3A_448 : memref<256xi32, #tpu.memory_space<vmem>>) target_semaphore(%arg10 : memref<!tpu.dma_semaphore, #tpu.memory_space<semaphore_mem>>)
          %dma_start3A_450 = arith.constant 0 : i32
          %dma_start3A_451 = arith.constant 1 : i32
          %dma_start3A_452 = arith.constant 0 : i32
          %dma_start3A_453 = tpu.memref_slice %arg7[%dma_start3A_450, %dma_start3A_451, %dma_start3A_452] : memref<2x3x1024xi32, #tpu.memory_space<vmem>> -> memref<1x1x256xi32, #tpu.memory_space<vmem>>
          %dma_start3A_454 = tpu.memref_squeeze %dma_start3A_453 : memref<1x1x256xi32, #tpu.memory_space<vmem>> -> memref<256xi32, #tpu.memory_space<vmem>>
          %dma_start3A_455 = tpu.memref_slice %arg4[%add3A_433] : memref<819200xi32, #tpu.memory_space<hbm>> -> memref<256xi32, #tpu.memory_space<hbm>>
          %dma_start3A_456 = arith.constant 0 : i32
          %dma_start3A_457 = tpu.memref_slice %arg7[%dma_start3A_450, %dma_start3A_451, %dma_start3A_456] : memref<2x3x1024xi32, #tpu.memory_space<vmem>> -> memref<1x1x256xi32, #tpu.memory_space<vmem>>
          %dma_start3A_458 = tpu.memref_squeeze %dma_start3A_457 : memref<1x1x256xi32, #tpu.memory_space<vmem>> -> memref<256xi32, #tpu.memory_space<vmem>>
          %dma_start3A_459 = tpu.memref_slice %arg4[%add3A_433] : memref<819200xi32, #tpu.memory_space<hbm>> -> memref<256xi32, #tpu.memory_space<hbm>>
          tpu.enqueue_dma source(%dma_start3A_459 : memref<256xi32, #tpu.memory_space<hbm>>) target(%dma_start3A_458 : memref<256xi32, #tpu.memory_space<vmem>>) target_semaphore(%arg10 : memref<!tpu.dma_semaphore, #tpu.memory_space<semaphore_mem>>)
          %dma_start3A_460 = arith.constant 0 : i32
          %dma_start3A_461 = arith.constant 2 : i32
          %dma_start3A_462 = arith.constant 0 : i32
          %dma_start3A_463 = tpu.memref_slice %arg7[%dma_start3A_460, %dma_start3A_461, %dma_start3A_462] : memref<2x3x1024xi32, #tpu.memory_space<vmem>> -> memref<1x1x256xi32, #tpu.memory_space<vmem>>
          %dma_start3A_464 = tpu.memref_squeeze %dma_start3A_463 : memref<1x1x256xi32, #tpu.memory_space<vmem>> -> memref<256xi32, #tpu.memory_space<vmem>>
          %dma_start3A_465 = tpu.memref_slice %arg5[%add3A_433] : memref<819200xi32, #tpu.memory_space<hbm>> -> memref<256xi32, #tpu.memory_space<hbm>>
          %dma_start3A_466 = arith.constant 0 : i32
          %dma_start3A_467 = tpu.memref_slice %arg7[%dma_start3A_460, %dma_start3A_461, %dma_start3A_466] : memref<2x3x1024xi32, #tpu.memory_space<vmem>> -> memref<1x1x256xi32, #tpu.memory_space<vmem>>
          %dma_start3A_468 = tpu.memref_squeeze %dma_start3A_467 : memref<1x1x256xi32, #tpu.memory_space<vmem>> -> memref<256xi32, #tpu.memory_space<vmem>>
          %dma_start3A_469 = tpu.memref_slice %arg5[%add3A_433] : memref<819200xi32, #tpu.memory_space<hbm>> -> memref<256xi32, #tpu.memory_space<hbm>>
          tpu.enqueue_dma source(%dma_start3A_469 : memref<256xi32, #tpu.memory_space<hbm>>) target(%dma_start3A_468 : memref<256xi32, #tpu.memory_space<vmem>>) target_semaphore(%arg10 : memref<!tpu.dma_semaphore, #tpu.memory_space<semaphore_mem>>)
          %dma_start3A_470 = arith.constant 0 : i32
          %dma_start3A_471 = arith.constant 0 : i32
          %dma_start3A_472 = arith.constant 256 : i32
          %dma_start3A_473 = tpu.memref_slice %arg7[%dma_start3A_470, %dma_start3A_471, %dma_start3A_472] : memref<2x3x1024xi32, #tpu.memory_space<vmem>> -> memref<1x1x256xi32, #tpu.memory_space<vmem>>
          %dma_start3A_474 = tpu.memref_squeeze %dma_start3A_473 : memref<1x1x256xi32, #tpu.memory_space<vmem>> -> memref<256xi32, #tpu.memory_space<vmem>>
          %dma_start3A_475 = tpu.memref_slice %arg3[%add3A_435] : memref<819200xi32, #tpu.memory_space<hbm>> -> memref<256xi32, #tpu.memory_space<hbm>>
          %dma_start3A_476 = arith.constant 256 : i32
          %dma_start3A_477 = tpu.memref_slice %arg7[%dma_start3A_470, %dma_start3A_471, %dma_start3A_476] : memref<2x3x1024xi32, #tpu.memory_space<vmem>> -> memref<1x1x256xi32, #tpu.memory_space<vmem>>
          %dma_start3A_478 = tpu.memref_squeeze %dma_start3A_477 : memref<1x1x256xi32, #tpu.memory_space<vmem>> -> memref<256xi32, #tpu.memory_space<vmem>>
          %dma_start3A_479 = tpu.memref_slice %arg3[%add3A_435] : memref<819200xi32, #tpu.memory_space<hbm>> -> memref<256xi32, #tpu.memory_space<hbm>>
          tpu.enqueue_dma source(%dma_start3A_479 : memref<256xi32, #tpu.memory_space<hbm>>) target(%dma_start3A_478 : memref<256xi32, #tpu.memory_space<vmem>>) target_semaphore(%arg10 : memref<!tpu.dma_semaphore, #tpu.memory_space<semaphore_mem>>)
          %dma_start3A_480 = arith.constant 0 : i32
          %dma_start3A_481 = arith.constant 1 : i32
          %dma_start3A_482 = arith.constant 256 : i32
          %dma_start3A_483 = tpu.memref_slice %arg7[%dma_start3A_480, %dma_start3A_481, %dma_start3A_482] : memref<2x3x1024xi32, #tpu.memory_space<vmem>> -> memref<1x1x256xi32, #tpu.memory_space<vmem>>
          %dma_start3A_484 = tpu.memref_squeeze %dma_start3A_483 : memref<1x1x256xi32, #tpu.memory_space<vmem>> -> memref<256xi32, #tpu.memory_space<vmem>>
          %dma_start3A_485 = tpu.memref_slice %arg4[%add3A_435] : memref<819200xi32, #tpu.memory_space<hbm>> -> memref<256xi32, #tpu.memory_space<hbm>>
          %dma_start3A_486 = arith.constant 256 : i32
          %dma_start3A_487 = tpu.memref_slice %arg7[%dma_start3A_480, %dma_start3A_481, %dma_start3A_486] : memref<2x3x1024xi32, #tpu.memory_space<vmem>> -> memref<1x1x256xi32, #tpu.memory_space<vmem>>
          %dma_start3A_488 = tpu.memref_squeeze %dma_start3A_487 : memref<1x1x256xi32, #tpu.memory_space<vmem>> -> memref<256xi32, #tpu.memory_space<vmem>>
          %dma_start3A_489 = tpu.memref_slice %arg4[%add3A_435] : memref<819200xi32, #tpu.memory_space<hbm>> -> memref<256xi32, #tpu.memory_space<hbm>>
          tpu.enqueue_dma source(%dma_start3A_489 : memref<256xi32, #tpu.memory_space<hbm>>) target(%dma_start3A_488 : memref<256xi32, #tpu.memory_space<vmem>>) target_semaphore(%arg10 : memref<!tpu.dma_semaphore, #tpu.memory_space<semaphore_mem>>)
          %dma_start3A_490 = arith.constant 0 : i32
          %dma_start3A_491 = arith.constant 2 : i32
          %dma_start3A_492 = arith.constant 256 : i32
          %dma_start3A_493 = tpu.memref_slice %arg7[%dma_start3A_490, %dma_start3A_491, %dma_start3A_492] : memref<2x3x1024xi32, #tpu.memory_space<vmem>> -> memref<1x1x256xi32, #tpu.memory_space<vmem>>
          %dma_start3A_494 = tpu.memref_squeeze %dma_start3A_493 : memref<1x1x256xi32, #tpu.memory_space<vmem>> -> memref<256xi32, #tpu.memory_space<vmem>>
          %dma_start3A_495 = tpu.memref_slice %arg5[%add3A_435] : memref<819200xi32, #tpu.memory_space<hbm>> -> memref<256xi32, #tpu.memory_space<hbm>>
          %dma_start3A_496 = arith.constant 256 : i32
          %dma_start3A_497 = tpu.memref_slice %arg7[%dma_start3A_490, %dma_start3A_491, %dma_start3A_496] : memref<2x3x1024xi32, #tpu.memory_space<vmem>> -> memref<1x1x256xi32, #tpu.memory_space<vmem>>
          %dma_start3A_498 = tpu.memref_squeeze %dma_start3A_497 : memref<1x1x256xi32, #tpu.memory_space<vmem>> -> memref<256xi32, #tpu.memory_space<vmem>>
          %dma_start3A_499 = tpu.memref_slice %arg5[%add3A_435] : memref<819200xi32, #tpu.memory_space<hbm>> -> memref<256xi32, #tpu.memory_space<hbm>>
          tpu.enqueue_dma source(%dma_start3A_499 : memref<256xi32, #tpu.memory_space<hbm>>) target(%dma_start3A_498 : memref<256xi32, #tpu.memory_space<vmem>>) target_semaphore(%arg10 : memref<!tpu.dma_semaphore, #tpu.memory_space<semaphore_mem>>)
          %dma_start3A_500 = arith.constant 0 : i32
          %dma_start3A_501 = arith.constant 0 : i32
          %dma_start3A_502 = arith.constant 512 : i32
          %dma_start3A_503 = tpu.memref_slice %arg7[%dma_start3A_500, %dma_start3A_501, %dma_start3A_502] : memref<2x3x1024xi32, #tpu.memory_space<vmem>> -> memref<1x1x256xi32, #tpu.memory_space<vmem>>
          %dma_start3A_504 = tpu.memref_squeeze %dma_start3A_503 : memref<1x1x256xi32, #tpu.memory_space<vmem>> -> memref<256xi32, #tpu.memory_space<vmem>>
          %dma_start3A_505 = tpu.memref_slice %arg3[%add3A_437] : memref<819200xi32, #tpu.memory_space<hbm>> -> memref<256xi32, #tpu.memory_space<hbm>>
          %dma_start3A_506 = arith.constant 512 : i32
          %dma_start3A_507 = tpu.memref_slice %arg7[%dma_start3A_500, %dma_start3A_501, %dma_start3A_506] : memref<2x3x1024xi32, #tpu.memory_space<vmem>> -> memref<1x1x256xi32, #tpu.memory_space<vmem>>
          %dma_start3A_508 = tpu.memref_squeeze %dma_start3A_507 : memref<1x1x256xi32, #tpu.memory_space<vmem>> -> memref<256xi32, #tpu.memory_space<vmem>>
          %dma_start3A_509 = tpu.memref_slice %arg3[%add3A_437] : memref<819200xi32, #tpu.memory_space<hbm>> -> memref<256xi32, #tpu.memory_space<hbm>>
          tpu.enqueue_dma source(%dma_start3A_509 : memref<256xi32, #tpu.memory_space<hbm>>) target(%dma_start3A_508 : memref<256xi32, #tpu.memory_space<vmem>>) target_semaphore(%arg10 : memref<!tpu.dma_semaphore, #tpu.memory_space<semaphore_mem>>)
          %dma_start3A_510 = arith.constant 0 : i32
          %dma_start3A_511 = arith.constant 1 : i32
          %dma_start3A_512 = arith.constant 512 : i32
          %dma_start3A_513 = tpu.memref_slice %arg7[%dma_start3A_510, %dma_start3A_511, %dma_start3A_512] : memref<2x3x1024xi32, #tpu.memory_space<vmem>> -> memref<1x1x256xi32, #tpu.memory_space<vmem>>
          %dma_start3A_514 = tpu.memref_squeeze %dma_start3A_513 : memref<1x1x256xi32, #tpu.memory_space<vmem>> -> memref<256xi32, #tpu.memory_space<vmem>>
          %dma_start3A_515 = tpu.memref_slice %arg4[%add3A_437] : memref<819200xi32, #tpu.memory_space<hbm>> -> memref<256xi32, #tpu.memory_space<hbm>>
          %dma_start3A_516 = arith.constant 512 : i32
          %dma_start3A_517 = tpu.memref_slice %arg7[%dma_start3A_510, %dma_start3A_511, %dma_start3A_516] : memref<2x3x1024xi32, #tpu.memory_space<vmem>> -> memref<1x1x256xi32, #tpu.memory_space<vmem>>
          %dma_start3A_518 = tpu.memref_squeeze %dma_start3A_517 : memref<1x1x256xi32, #tpu.memory_space<vmem>> -> memref<256xi32, #tpu.memory_space<vmem>>
          %dma_start3A_519 = tpu.memref_slice %arg4[%add3A_437] : memref<819200xi32, #tpu.memory_space<hbm>> -> memref<256xi32, #tpu.memory_space<hbm>>
          tpu.enqueue_dma source(%dma_start3A_519 : memref<256xi32, #tpu.memory_space<hbm>>) target(%dma_start3A_518 : memref<256xi32, #tpu.memory_space<vmem>>) target_semaphore(%arg10 : memref<!tpu.dma_semaphore, #tpu.memory_space<semaphore_mem>>)
          %dma_start3A_520 = arith.constant 0 : i32
          %dma_start3A_521 = arith.constant 2 : i32
          %dma_start3A_522 = arith.constant 512 : i32
          %dma_start3A_523 = tpu.memref_slice %arg7[%dma_start3A_520, %dma_start3A_521, %dma_start3A_522] : memref<2x3x1024xi32, #tpu.memory_space<vmem>> -> memref<1x1x256xi32, #tpu.memory_space<vmem>>
          %dma_start3A_524 = tpu.memref_squeeze %dma_start3A_523 : memref<1x1x256xi32, #tpu.memory_space<vmem>> -> memref<256xi32, #tpu.memory_space<vmem>>
          %dma_start3A_525 = tpu.memref_slice %arg5[%add3A_437] : memref<819200xi32, #tpu.memory_space<hbm>> -> memref<256xi32, #tpu.memory_space<hbm>>
          %dma_start3A_526 = arith.constant 512 : i32
          %dma_start3A_527 = tpu.memref_slice %arg7[%dma_start3A_520, %dma_start3A_521, %dma_start3A_526] : memref<2x3x1024xi32, #tpu.memory_space<vmem>> -> memref<1x1x256xi32, #tpu.memory_space<vmem>>
          %dma_start3A_528 = tpu.memref_squeeze %dma_start3A_527 : memref<1x1x256xi32, #tpu.memory_space<vmem>> -> memref<256xi32, #tpu.memory_space<vmem>>
          %dma_start3A_529 = tpu.memref_slice %arg5[%add3A_437] : memref<819200xi32, #tpu.memory_space<hbm>> -> memref<256xi32, #tpu.memory_space<hbm>>
          tpu.enqueue_dma source(%dma_start3A_529 : memref<256xi32, #tpu.memory_space<hbm>>) target(%dma_start3A_528 : memref<256xi32, #tpu.memory_space<vmem>>) target_semaphore(%arg10 : memref<!tpu.dma_semaphore, #tpu.memory_space<semaphore_mem>>)
          %dma_start3A_530 = arith.constant 0 : i32
          %dma_start3A_531 = arith.constant 0 : i32
          %dma_start3A_532 = arith.constant 768 : i32
          %dma_start3A_533 = tpu.memref_slice %arg7[%dma_start3A_530, %dma_start3A_531, %dma_start3A_532] : memref<2x3x1024xi32, #tpu.memory_space<vmem>> -> memref<1x1x256xi32, #tpu.memory_space<vmem>>
          %dma_start3A_534 = tpu.memref_squeeze %dma_start3A_533 : memref<1x1x256xi32, #tpu.memory_space<vmem>> -> memref<256xi32, #tpu.memory_space<vmem>>
          %dma_start3A_535 = tpu.memref_slice %arg3[%add3A_439] : memref<819200xi32, #tpu.memory_space<hbm>> -> memref<256xi32, #tpu.memory_space<hbm>>
          %dma_start3A_536 = arith.constant 768 : i32
          %dma_start3A_537 = tpu.memref_slice %arg7[%dma_start3A_530, %dma_start3A_531, %dma_start3A_536] : memref<2x3x1024xi32, #tpu.memory_space<vmem>> -> memref<1x1x256xi32, #tpu.memory_space<vmem>>
          %dma_start3A_538 = tpu.memref_squeeze %dma_start3A_537 : memref<1x1x256xi32, #tpu.memory_space<vmem>> -> memref<256xi32, #tpu.memory_space<vmem>>
          %dma_start3A_539 = tpu.memref_slice %arg3[%add3A_439] : memref<819200xi32, #tpu.memory_space<hbm>> -> memref<256xi32, #tpu.memory_space<hbm>>
          tpu.enqueue_dma source(%dma_start3A_539 : memref<256xi32, #tpu.memory_space<hbm>>) target(%dma_start3A_538 : memref<256xi32, #tpu.memory_space<vmem>>) target_semaphore(%arg10 : memref<!tpu.dma_semaphore, #tpu.memory_space<semaphore_mem>>)
          %dma_start3A_540 = arith.constant 0 : i32
          %dma_start3A_541 = arith.constant 1 : i32
          %dma_start3A_542 = arith.constant 768 : i32
          %dma_start3A_543 = tpu.memref_slice %arg7[%dma_start3A_540, %dma_start3A_541, %dma_start3A_542] : memref<2x3x1024xi32, #tpu.memory_space<vmem>> -> memref<1x1x256xi32, #tpu.memory_space<vmem>>
          %dma_start3A_544 = tpu.memref_squeeze %dma_start3A_543 : memref<1x1x256xi32, #tpu.memory_space<vmem>> -> memref<256xi32, #tpu.memory_space<vmem>>
          %dma_start3A_545 = tpu.memref_slice %arg4[%add3A_439] : memref<819200xi32, #tpu.memory_space<hbm>> -> memref<256xi32, #tpu.memory_space<hbm>>
          %dma_start3A_546 = arith.constant 768 : i32
          %dma_start3A_547 = tpu.memref_slice %arg7[%dma_start3A_540, %dma_start3A_541, %dma_start3A_546] : memref<2x3x1024xi32, #tpu.memory_space<vmem>> -> memref<1x1x256xi32, #tpu.memory_space<vmem>>
          %dma_start3A_548 = tpu.memref_squeeze %dma_start3A_547 : memref<1x1x256xi32, #tpu.memory_space<vmem>> -> memref<256xi32, #tpu.memory_space<vmem>>
          %dma_start3A_549 = tpu.memref_slice %arg4[%add3A_439] : memref<819200xi32, #tpu.memory_space<hbm>> -> memref<256xi32, #tpu.memory_space<hbm>>
          tpu.enqueue_dma source(%dma_start3A_549 : memref<256xi32, #tpu.memory_space<hbm>>) target(%dma_start3A_548 : memref<256xi32, #tpu.memory_space<vmem>>) target_semaphore(%arg10 : memref<!tpu.dma_semaphore, #tpu.memory_space<semaphore_mem>>)
          %dma_start3A_550 = arith.constant 0 : i32
          %dma_start3A_551 = arith.constant 2 : i32
          %dma_start3A_552 = arith.constant 768 : i32
          %dma_start3A_553 = tpu.memref_slice %arg7[%dma_start3A_550, %dma_start3A_551, %dma_start3A_552] : memref<2x3x1024xi32, #tpu.memory_space<vmem>> -> memref<1x1x256xi32, #tpu.memory_space<vmem>>
          %dma_start3A_554 = tpu.memref_squeeze %dma_start3A_553 : memref<1x1x256xi32, #tpu.memory_space<vmem>> -> memref<256xi32, #tpu.memory_space<vmem>>
          %dma_start3A_555 = tpu.memref_slice %arg5[%add3A_439] : memref<819200xi32, #tpu.memory_space<hbm>> -> memref<256xi32, #tpu.memory_space<hbm>>
          %dma_start3A_556 = arith.constant 768 : i32
          %dma_start3A_557 = tpu.memref_slice %arg7[%dma_start3A_550, %dma_start3A_551, %dma_start3A_556] : memref<2x3x1024xi32, #tpu.memory_space<vmem>> -> memref<1x1x256xi32, #tpu.memory_space<vmem>>
          %dma_start3A_558 = tpu.memref_squeeze %dma_start3A_557 : memref<1x1x256xi32, #tpu.memory_space<vmem>> -> memref<256xi32, #tpu.memory_space<vmem>>
          %dma_start3A_559 = tpu.memref_slice %arg5[%add3A_439] : memref<819200xi32, #tpu.memory_space<hbm>> -> memref<256xi32, #tpu.memory_space<hbm>>
          tpu.enqueue_dma source(%dma_start3A_559 : memref<256xi32, #tpu.memory_space<hbm>>) target(%dma_start3A_558 : memref<256xi32, #tpu.memory_space<vmem>>) target_semaphore(%arg10 : memref<!tpu.dma_semaphore, #tpu.memory_space<semaphore_mem>>)
        } else {
        }
        %mul3A_251 = arith.constant 25 : i32
        %mul3A_252 = arith.muli %add3A, %mul3A_251 : i32
        %add3A_253 = arith.addi %mul3A_252, %add3A_238 : i32
        %shift_right_arithmetic3A_254 = arith.constant 2 : i32
        %shift_right_arithmetic3A_255 = arith.shrsi %add3A_253, %shift_right_arithmetic3A_254 : i32
        %mul3A_256 = arith.constant 4096 : i32
        %mul3A_257 = arith.muli %shift_right_arithmetic3A_255, %mul3A_256 : i32
        %and3A_258 = arith.constant 3 : i32
        %and3A_259 = arith.andi %add3A_253, %and3A_258 : i32
        %mul3A_260 = arith.constant 256 : i32
        %mul3A_261 = arith.muli %and3A_259, %mul3A_260 : i32
        %add3A_262 = arith.addi %mul3A_257, %mul3A_261 : i32
        %add3A_263 = arith.constant 0 : i32
        %add3A_264 = arith.addi %add3A_262, %add3A_263 : i32
        %add3A_265 = arith.constant 1024 : i32
        %add3A_266 = arith.addi %add3A_262, %add3A_265 : i32
        %add3A_267 = arith.constant 2048 : i32
        %add3A_268 = arith.addi %add3A_262, %add3A_267 : i32
        %add3A_269 = arith.constant 3072 : i32
        %add3A_270 = arith.addi %add3A_262, %add3A_269 : i32
        %dma_wait3A_271 = arith.constant 1 : i32
        %dma_wait3A_272 = arith.constant 0 : i32
        %dma_wait3A_273 = arith.constant 0 : i32
        %dma_wait3A_274 = tpu.memref_slice %arg7[%dma_wait3A_271, %dma_wait3A_272, %dma_wait3A_273] : memref<2x3x1024xi32, #tpu.memory_space<vmem>> -> memref<1x1x256xi32, #tpu.memory_space<vmem>>
        %dma_wait3A_275 = tpu.memref_squeeze %dma_wait3A_274 : memref<1x1x256xi32, #tpu.memory_space<vmem>> -> memref<256xi32, #tpu.memory_space<vmem>>
        %dma_wait3A_276 = tpu.memref_slice %arg3[%add3A_264] : memref<819200xi32, #tpu.memory_space<hbm>> -> memref<256xi32, #tpu.memory_space<hbm>>
        %dma_wait3A_277 = arith.constant 0 : i32
        %dma_wait3A_278 = tpu.memref_slice %arg7[%dma_wait3A_271, %dma_wait3A_272, %dma_wait3A_277] : memref<2x3x1024xi32, #tpu.memory_space<vmem>> -> memref<1x1x256xi32, #tpu.memory_space<vmem>>
        %dma_wait3A_279 = tpu.memref_squeeze %dma_wait3A_278 : memref<1x1x256xi32, #tpu.memory_space<vmem>> -> memref<256xi32, #tpu.memory_space<vmem>>
        %dma_wait3A_280 = tpu.memref_slice %arg3[%add3A_264] : memref<819200xi32, #tpu.memory_space<hbm>> -> memref<256xi32, #tpu.memory_space<hbm>>
        tpu.wait_dma2 semaphore(%arg11 : memref<!tpu.dma_semaphore, #tpu.memory_space<semaphore_mem>>) src(%dma_wait3A_280 : memref<256xi32, #tpu.memory_space<hbm>>) dst(%dma_wait3A_279 : memref<256xi32, #tpu.memory_space<vmem>>)
        %dma_wait3A_281 = arith.constant 1 : i32
        %dma_wait3A_282 = arith.constant 1 : i32
        %dma_wait3A_283 = arith.constant 0 : i32
        %dma_wait3A_284 = tpu.memref_slice %arg7[%dma_wait3A_281, %dma_wait3A_282, %dma_wait3A_283] : memref<2x3x1024xi32, #tpu.memory_space<vmem>> -> memref<1x1x256xi32, #tpu.memory_space<vmem>>
        %dma_wait3A_285 = tpu.memref_squeeze %dma_wait3A_284 : memref<1x1x256xi32, #tpu.memory_space<vmem>> -> memref<256xi32, #tpu.memory_space<vmem>>
        %dma_wait3A_286 = tpu.memref_slice %arg4[%add3A_264] : memref<819200xi32, #tpu.memory_space<hbm>> -> memref<256xi32, #tpu.memory_space<hbm>>
        %dma_wait3A_287 = arith.constant 0 : i32
        %dma_wait3A_288 = tpu.memref_slice %arg7[%dma_wait3A_281, %dma_wait3A_282, %dma_wait3A_287] : memref<2x3x1024xi32, #tpu.memory_space<vmem>> -> memref<1x1x256xi32, #tpu.memory_space<vmem>>
        %dma_wait3A_289 = tpu.memref_squeeze %dma_wait3A_288 : memref<1x1x256xi32, #tpu.memory_space<vmem>> -> memref<256xi32, #tpu.memory_space<vmem>>
        %dma_wait3A_290 = tpu.memref_slice %arg4[%add3A_264] : memref<819200xi32, #tpu.memory_space<hbm>> -> memref<256xi32, #tpu.memory_space<hbm>>
        tpu.wait_dma2 semaphore(%arg11 : memref<!tpu.dma_semaphore, #tpu.memory_space<semaphore_mem>>) src(%dma_wait3A_290 : memref<256xi32, #tpu.memory_space<hbm>>) dst(%dma_wait3A_289 : memref<256xi32, #tpu.memory_space<vmem>>)
        %dma_wait3A_291 = arith.constant 1 : i32
        %dma_wait3A_292 = arith.constant 2 : i32
        %dma_wait3A_293 = arith.constant 0 : i32
        %dma_wait3A_294 = tpu.memref_slice %arg7[%dma_wait3A_291, %dma_wait3A_292, %dma_wait3A_293] : memref<2x3x1024xi32, #tpu.memory_space<vmem>> -> memref<1x1x256xi32, #tpu.memory_space<vmem>>
        %dma_wait3A_295 = tpu.memref_squeeze %dma_wait3A_294 : memref<1x1x256xi32, #tpu.memory_space<vmem>> -> memref<256xi32, #tpu.memory_space<vmem>>
        %dma_wait3A_296 = tpu.memref_slice %arg5[%add3A_264] : memref<819200xi32, #tpu.memory_space<hbm>> -> memref<256xi32, #tpu.memory_space<hbm>>
        %dma_wait3A_297 = arith.constant 0 : i32
        %dma_wait3A_298 = tpu.memref_slice %arg7[%dma_wait3A_291, %dma_wait3A_292, %dma_wait3A_297] : memref<2x3x1024xi32, #tpu.memory_space<vmem>> -> memref<1x1x256xi32, #tpu.memory_space<vmem>>
        %dma_wait3A_299 = tpu.memref_squeeze %dma_wait3A_298 : memref<1x1x256xi32, #tpu.memory_space<vmem>> -> memref<256xi32, #tpu.memory_space<vmem>>
        %dma_wait3A_300 = tpu.memref_slice %arg5[%add3A_264] : memref<819200xi32, #tpu.memory_space<hbm>> -> memref<256xi32, #tpu.memory_space<hbm>>
        tpu.wait_dma2 semaphore(%arg11 : memref<!tpu.dma_semaphore, #tpu.memory_space<semaphore_mem>>) src(%dma_wait3A_300 : memref<256xi32, #tpu.memory_space<hbm>>) dst(%dma_wait3A_299 : memref<256xi32, #tpu.memory_space<vmem>>)
        %dma_wait3A_301 = arith.constant 1 : i32
        %dma_wait3A_302 = arith.constant 0 : i32
        %dma_wait3A_303 = arith.constant 256 : i32
        %dma_wait3A_304 = tpu.memref_slice %arg7[%dma_wait3A_301, %dma_wait3A_302, %dma_wait3A_303] : memref<2x3x1024xi32, #tpu.memory_space<vmem>> -> memref<1x1x256xi32, #tpu.memory_space<vmem>>
        %dma_wait3A_305 = tpu.memref_squeeze %dma_wait3A_304 : memref<1x1x256xi32, #tpu.memory_space<vmem>> -> memref<256xi32, #tpu.memory_space<vmem>>
        %dma_wait3A_306 = tpu.memref_slice %arg3[%add3A_266] : memref<819200xi32, #tpu.memory_space<hbm>> -> memref<256xi32, #tpu.memory_space<hbm>>
        %dma_wait3A_307 = arith.constant 256 : i32
        %dma_wait3A_308 = tpu.memref_slice %arg7[%dma_wait3A_301, %dma_wait3A_302, %dma_wait3A_307] : memref<2x3x1024xi32, #tpu.memory_space<vmem>> -> memref<1x1x256xi32, #tpu.memory_space<vmem>>
        %dma_wait3A_309 = tpu.memref_squeeze %dma_wait3A_308 : memref<1x1x256xi32, #tpu.memory_space<vmem>> -> memref<256xi32, #tpu.memory_space<vmem>>
        %dma_wait3A_310 = tpu.memref_slice %arg3[%add3A_266] : memref<819200xi32, #tpu.memory_space<hbm>> -> memref<256xi32, #tpu.memory_space<hbm>>
        tpu.wait_dma2 semaphore(%arg11 : memref<!tpu.dma_semaphore, #tpu.memory_space<semaphore_mem>>) src(%dma_wait3A_310 : memref<256xi32, #tpu.memory_space<hbm>>) dst(%dma_wait3A_309 : memref<256xi32, #tpu.memory_space<vmem>>)
        %dma_wait3A_311 = arith.constant 1 : i32
        %dma_wait3A_312 = arith.constant 1 : i32
        %dma_wait3A_313 = arith.constant 256 : i32
        %dma_wait3A_314 = tpu.memref_slice %arg7[%dma_wait3A_311, %dma_wait3A_312, %dma_wait3A_313] : memref<2x3x1024xi32, #tpu.memory_space<vmem>> -> memref<1x1x256xi32, #tpu.memory_space<vmem>>
        %dma_wait3A_315 = tpu.memref_squeeze %dma_wait3A_314 : memref<1x1x256xi32, #tpu.memory_space<vmem>> -> memref<256xi32, #tpu.memory_space<vmem>>
        %dma_wait3A_316 = tpu.memref_slice %arg4[%add3A_266] : memref<819200xi32, #tpu.memory_space<hbm>> -> memref<256xi32, #tpu.memory_space<hbm>>
        %dma_wait3A_317 = arith.constant 256 : i32
        %dma_wait3A_318 = tpu.memref_slice %arg7[%dma_wait3A_311, %dma_wait3A_312, %dma_wait3A_317] : memref<2x3x1024xi32, #tpu.memory_space<vmem>> -> memref<1x1x256xi32, #tpu.memory_space<vmem>>
        %dma_wait3A_319 = tpu.memref_squeeze %dma_wait3A_318 : memref<1x1x256xi32, #tpu.memory_space<vmem>> -> memref<256xi32, #tpu.memory_space<vmem>>
        %dma_wait3A_320 = tpu.memref_slice %arg4[%add3A_266] : memref<819200xi32, #tpu.memory_space<hbm>> -> memref<256xi32, #tpu.memory_space<hbm>>
        tpu.wait_dma2 semaphore(%arg11 : memref<!tpu.dma_semaphore, #tpu.memory_space<semaphore_mem>>) src(%dma_wait3A_320 : memref<256xi32, #tpu.memory_space<hbm>>) dst(%dma_wait3A_319 : memref<256xi32, #tpu.memory_space<vmem>>)
        %dma_wait3A_321 = arith.constant 1 : i32
        %dma_wait3A_322 = arith.constant 2 : i32
        %dma_wait3A_323 = arith.constant 256 : i32
        %dma_wait3A_324 = tpu.memref_slice %arg7[%dma_wait3A_321, %dma_wait3A_322, %dma_wait3A_323] : memref<2x3x1024xi32, #tpu.memory_space<vmem>> -> memref<1x1x256xi32, #tpu.memory_space<vmem>>
        %dma_wait3A_325 = tpu.memref_squeeze %dma_wait3A_324 : memref<1x1x256xi32, #tpu.memory_space<vmem>> -> memref<256xi32, #tpu.memory_space<vmem>>
        %dma_wait3A_326 = tpu.memref_slice %arg5[%add3A_266] : memref<819200xi32, #tpu.memory_space<hbm>> -> memref<256xi32, #tpu.memory_space<hbm>>
        %dma_wait3A_327 = arith.constant 256 : i32
        %dma_wait3A_328 = tpu.memref_slice %arg7[%dma_wait3A_321, %dma_wait3A_322, %dma_wait3A_327] : memref<2x3x1024xi32, #tpu.memory_space<vmem>> -> memref<1x1x256xi32, #tpu.memory_space<vmem>>
        %dma_wait3A_329 = tpu.memref_squeeze %dma_wait3A_328 : memref<1x1x256xi32, #tpu.memory_space<vmem>> -> memref<256xi32, #tpu.memory_space<vmem>>
        %dma_wait3A_330 = tpu.memref_slice %arg5[%add3A_266] : memref<819200xi32, #tpu.memory_space<hbm>> -> memref<256xi32, #tpu.memory_space<hbm>>
        tpu.wait_dma2 semaphore(%arg11 : memref<!tpu.dma_semaphore, #tpu.memory_space<semaphore_mem>>) src(%dma_wait3A_330 : memref<256xi32, #tpu.memory_space<hbm>>) dst(%dma_wait3A_329 : memref<256xi32, #tpu.memory_space<vmem>>)
        %dma_wait3A_331 = arith.constant 1 : i32
        %dma_wait3A_332 = arith.constant 0 : i32
        %dma_wait3A_333 = arith.constant 512 : i32
        %dma_wait3A_334 = tpu.memref_slice %arg7[%dma_wait3A_331, %dma_wait3A_332, %dma_wait3A_333] : memref<2x3x1024xi32, #tpu.memory_space<vmem>> -> memref<1x1x256xi32, #tpu.memory_space<vmem>>
        %dma_wait3A_335 = tpu.memref_squeeze %dma_wait3A_334 : memref<1x1x256xi32, #tpu.memory_space<vmem>> -> memref<256xi32, #tpu.memory_space<vmem>>
        %dma_wait3A_336 = tpu.memref_slice %arg3[%add3A_268] : memref<819200xi32, #tpu.memory_space<hbm>> -> memref<256xi32, #tpu.memory_space<hbm>>
        %dma_wait3A_337 = arith.constant 512 : i32
        %dma_wait3A_338 = tpu.memref_slice %arg7[%dma_wait3A_331, %dma_wait3A_332, %dma_wait3A_337] : memref<2x3x1024xi32, #tpu.memory_space<vmem>> -> memref<1x1x256xi32, #tpu.memory_space<vmem>>
        %dma_wait3A_339 = tpu.memref_squeeze %dma_wait3A_338 : memref<1x1x256xi32, #tpu.memory_space<vmem>> -> memref<256xi32, #tpu.memory_space<vmem>>
        %dma_wait3A_340 = tpu.memref_slice %arg3[%add3A_268] : memref<819200xi32, #tpu.memory_space<hbm>> -> memref<256xi32, #tpu.memory_space<hbm>>
        tpu.wait_dma2 semaphore(%arg11 : memref<!tpu.dma_semaphore, #tpu.memory_space<semaphore_mem>>) src(%dma_wait3A_340 : memref<256xi32, #tpu.memory_space<hbm>>) dst(%dma_wait3A_339 : memref<256xi32, #tpu.memory_space<vmem>>)
        %dma_wait3A_341 = arith.constant 1 : i32
        %dma_wait3A_342 = arith.constant 1 : i32
        %dma_wait3A_343 = arith.constant 512 : i32
        %dma_wait3A_344 = tpu.memref_slice %arg7[%dma_wait3A_341, %dma_wait3A_342, %dma_wait3A_343] : memref<2x3x1024xi32, #tpu.memory_space<vmem>> -> memref<1x1x256xi32, #tpu.memory_space<vmem>>
        %dma_wait3A_345 = tpu.memref_squeeze %dma_wait3A_344 : memref<1x1x256xi32, #tpu.memory_space<vmem>> -> memref<256xi32, #tpu.memory_space<vmem>>
        %dma_wait3A_346 = tpu.memref_slice %arg4[%add3A_268] : memref<819200xi32, #tpu.memory_space<hbm>> -> memref<256xi32, #tpu.memory_space<hbm>>
        %dma_wait3A_347 = arith.constant 512 : i32
        %dma_wait3A_348 = tpu.memref_slice %arg7[%dma_wait3A_341, %dma_wait3A_342, %dma_wait3A_347] : memref<2x3x1024xi32, #tpu.memory_space<vmem>> -> memref<1x1x256xi32, #tpu.memory_space<vmem>>
        %dma_wait3A_349 = tpu.memref_squeeze %dma_wait3A_348 : memref<1x1x256xi32, #tpu.memory_space<vmem>> -> memref<256xi32, #tpu.memory_space<vmem>>
        %dma_wait3A_350 = tpu.memref_slice %arg4[%add3A_268] : memref<819200xi32, #tpu.memory_space<hbm>> -> memref<256xi32, #tpu.memory_space<hbm>>
        tpu.wait_dma2 semaphore(%arg11 : memref<!tpu.dma_semaphore, #tpu.memory_space<semaphore_mem>>) src(%dma_wait3A_350 : memref<256xi32, #tpu.memory_space<hbm>>) dst(%dma_wait3A_349 : memref<256xi32, #tpu.memory_space<vmem>>)
        %dma_wait3A_351 = arith.constant 1 : i32
        %dma_wait3A_352 = arith.constant 2 : i32
        %dma_wait3A_353 = arith.constant 512 : i32
        %dma_wait3A_354 = tpu.memref_slice %arg7[%dma_wait3A_351, %dma_wait3A_352, %dma_wait3A_353] : memref<2x3x1024xi32, #tpu.memory_space<vmem>> -> memref<1x1x256xi32, #tpu.memory_space<vmem>>
        %dma_wait3A_355 = tpu.memref_squeeze %dma_wait3A_354 : memref<1x1x256xi32, #tpu.memory_space<vmem>> -> memref<256xi32, #tpu.memory_space<vmem>>
        %dma_wait3A_356 = tpu.memref_slice %arg5[%add3A_268] : memref<819200xi32, #tpu.memory_space<hbm>> -> memref<256xi32, #tpu.memory_space<hbm>>
        %dma_wait3A_357 = arith.constant 512 : i32
        %dma_wait3A_358 = tpu.memref_slice %arg7[%dma_wait3A_351, %dma_wait3A_352, %dma_wait3A_357] : memref<2x3x1024xi32, #tpu.memory_space<vmem>> -> memref<1x1x256xi32, #tpu.memory_space<vmem>>
        %dma_wait3A_359 = tpu.memref_squeeze %dma_wait3A_358 : memref<1x1x256xi32, #tpu.memory_space<vmem>> -> memref<256xi32, #tpu.memory_space<vmem>>
        %dma_wait3A_360 = tpu.memref_slice %arg5[%add3A_268] : memref<819200xi32, #tpu.memory_space<hbm>> -> memref<256xi32, #tpu.memory_space<hbm>>
        tpu.wait_dma2 semaphore(%arg11 : memref<!tpu.dma_semaphore, #tpu.memory_space<semaphore_mem>>) src(%dma_wait3A_360 : memref<256xi32, #tpu.memory_space<hbm>>) dst(%dma_wait3A_359 : memref<256xi32, #tpu.memory_space<vmem>>)
        %dma_wait3A_361 = arith.constant 1 : i32
        %dma_wait3A_362 = arith.constant 0 : i32
        %dma_wait3A_363 = arith.constant 768 : i32
        %dma_wait3A_364 = tpu.memref_slice %arg7[%dma_wait3A_361, %dma_wait3A_362, %dma_wait3A_363] : memref<2x3x1024xi32, #tpu.memory_space<vmem>> -> memref<1x1x256xi32, #tpu.memory_space<vmem>>
        %dma_wait3A_365 = tpu.memref_squeeze %dma_wait3A_364 : memref<1x1x256xi32, #tpu.memory_space<vmem>> -> memref<256xi32, #tpu.memory_space<vmem>>
        %dma_wait3A_366 = tpu.memref_slice %arg3[%add3A_270] : memref<819200xi32, #tpu.memory_space<hbm>> -> memref<256xi32, #tpu.memory_space<hbm>>
        %dma_wait3A_367 = arith.constant 768 : i32
        %dma_wait3A_368 = tpu.memref_slice %arg7[%dma_wait3A_361, %dma_wait3A_362, %dma_wait3A_367] : memref<2x3x1024xi32, #tpu.memory_space<vmem>> -> memref<1x1x256xi32, #tpu.memory_space<vmem>>
        %dma_wait3A_369 = tpu.memref_squeeze %dma_wait3A_368 : memref<1x1x256xi32, #tpu.memory_space<vmem>> -> memref<256xi32, #tpu.memory_space<vmem>>
        %dma_wait3A_370 = tpu.memref_slice %arg3[%add3A_270] : memref<819200xi32, #tpu.memory_space<hbm>> -> memref<256xi32, #tpu.memory_space<hbm>>
        tpu.wait_dma2 semaphore(%arg11 : memref<!tpu.dma_semaphore, #tpu.memory_space<semaphore_mem>>) src(%dma_wait3A_370 : memref<256xi32, #tpu.memory_space<hbm>>) dst(%dma_wait3A_369 : memref<256xi32, #tpu.memory_space<vmem>>)
        %dma_wait3A_371 = arith.constant 1 : i32
        %dma_wait3A_372 = arith.constant 1 : i32
        %dma_wait3A_373 = arith.constant 768 : i32
        %dma_wait3A_374 = tpu.memref_slice %arg7[%dma_wait3A_371, %dma_wait3A_372, %dma_wait3A_373] : memref<2x3x1024xi32, #tpu.memory_space<vmem>> -> memref<1x1x256xi32, #tpu.memory_space<vmem>>
        %dma_wait3A_375 = tpu.memref_squeeze %dma_wait3A_374 : memref<1x1x256xi32, #tpu.memory_space<vmem>> -> memref<256xi32, #tpu.memory_space<vmem>>
        %dma_wait3A_376 = tpu.memref_slice %arg4[%add3A_270] : memref<819200xi32, #tpu.memory_space<hbm>> -> memref<256xi32, #tpu.memory_space<hbm>>
        %dma_wait3A_377 = arith.constant 768 : i32
        %dma_wait3A_378 = tpu.memref_slice %arg7[%dma_wait3A_371, %dma_wait3A_372, %dma_wait3A_377] : memref<2x3x1024xi32, #tpu.memory_space<vmem>> -> memref<1x1x256xi32, #tpu.memory_space<vmem>>
        %dma_wait3A_379 = tpu.memref_squeeze %dma_wait3A_378 : memref<1x1x256xi32, #tpu.memory_space<vmem>> -> memref<256xi32, #tpu.memory_space<vmem>>
        %dma_wait3A_380 = tpu.memref_slice %arg4[%add3A_270] : memref<819200xi32, #tpu.memory_space<hbm>> -> memref<256xi32, #tpu.memory_space<hbm>>
        tpu.wait_dma2 semaphore(%arg11 : memref<!tpu.dma_semaphore, #tpu.memory_space<semaphore_mem>>) src(%dma_wait3A_380 : memref<256xi32, #tpu.memory_space<hbm>>) dst(%dma_wait3A_379 : memref<256xi32, #tpu.memory_space<vmem>>)
        %dma_wait3A_381 = arith.constant 1 : i32
        %dma_wait3A_382 = arith.constant 2 : i32
        %dma_wait3A_383 = arith.constant 768 : i32
        %dma_wait3A_384 = tpu.memref_slice %arg7[%dma_wait3A_381, %dma_wait3A_382, %dma_wait3A_383] : memref<2x3x1024xi32, #tpu.memory_space<vmem>> -> memref<1x1x256xi32, #tpu.memory_space<vmem>>
        %dma_wait3A_385 = tpu.memref_squeeze %dma_wait3A_384 : memref<1x1x256xi32, #tpu.memory_space<vmem>> -> memref<256xi32, #tpu.memory_space<vmem>>
        %dma_wait3A_386 = tpu.memref_slice %arg5[%add3A_270] : memref<819200xi32, #tpu.memory_space<hbm>> -> memref<256xi32, #tpu.memory_space<hbm>>
        %dma_wait3A_387 = arith.constant 768 : i32
        %dma_wait3A_388 = tpu.memref_slice %arg7[%dma_wait3A_381, %dma_wait3A_382, %dma_wait3A_387] : memref<2x3x1024xi32, #tpu.memory_space<vmem>> -> memref<1x1x256xi32, #tpu.memory_space<vmem>>
        %dma_wait3A_389 = tpu.memref_squeeze %dma_wait3A_388 : memref<1x1x256xi32, #tpu.memory_space<vmem>> -> memref<256xi32, #tpu.memory_space<vmem>>
        %dma_wait3A_390 = tpu.memref_slice %arg5[%add3A_270] : memref<819200xi32, #tpu.memory_space<hbm>> -> memref<256xi32, #tpu.memory_space<hbm>>
        tpu.wait_dma2 semaphore(%arg11 : memref<!tpu.dma_semaphore, #tpu.memory_space<semaphore_mem>>) src(%dma_wait3A_390 : memref<256xi32, #tpu.memory_space<hbm>>) dst(%dma_wait3A_389 : memref<256xi32, #tpu.memory_space<vmem>>)
        %ge3A = arith.constant 2 : i32
        %ge3A_391 = arith.cmpi sge, %add3A_238, %ge3A : i32
        %convert_element_type3A_392 = arith.extui %ge3A_391 : i1 to i32
        %cond3A_393 = arith.constant 0 : i32
        %cond3A_394 = arith.cmpi ne, %convert_element_type3A_392, %cond3A_393 : i32
        scf.if %cond3A_394 {
          %sub3A = arith.constant 2 : i32
          %sub3A_418 = arith.subi %add3A_238, %sub3A : i32
          %mul3A_419 = arith.constant 25 : i32
          %mul3A_420 = arith.muli %add3A, %mul3A_419 : i32
          %add3A_421 = arith.addi %mul3A_420, %sub3A_418 : i32
          %mul3A_422 = arith.constant 2 : i32
          %mul3A_423 = arith.muli %mul3A_422, %add3A_421 : i32
          %mul3A_424 = arith.constant 1024 : i32
          %mul3A_425 = arith.muli %mul3A_423, %mul3A_424 : i32
          %dma_wait3A_426 = arith.constant 1 : i32
          %dma_wait3A_427 = arith.constant 0 : i32
          %dma_wait3A_428 = arith.constant 0 : i32
          %dma_wait3A_429 = tpu.memref_slice %arg9[%dma_wait3A_426, %dma_wait3A_427, %dma_wait3A_428] : memref<2x2048x16xf32, #tpu.memory_space<vmem>> -> memref<1x2048x16xf32, #tpu.memory_space<vmem>>
          %dma_wait3A_430 = tpu.memref_squeeze %dma_wait3A_429 : memref<1x2048x16xf32, #tpu.memory_space<vmem>> -> memref<2048x16xf32, #tpu.memory_space<vmem>>
          %dma_wait3A_431 = arith.constant 0 : i32
          %dma_wait3A_432 = tpu.memref_slice %arg6[%mul3A_425, %dma_wait3A_431] : memref<1638400x16xf32, #tpu.memory_space<hbm>> -> memref<2048x16xf32, #tpu.memory_space<hbm>>
          %dma_wait3A_433 = arith.constant 0 : i32
          %dma_wait3A_434 = tpu.memref_slice %arg6[%mul3A_425, %dma_wait3A_433] : memref<1638400x16xf32, #tpu.memory_space<hbm>> -> memref<2048x16xf32, #tpu.memory_space<hbm>>
          %dma_wait3A_435 = arith.constant 0 : i32
          %dma_wait3A_436 = arith.constant 0 : i32
          %dma_wait3A_437 = tpu.memref_slice %arg9[%dma_wait3A_426, %dma_wait3A_435, %dma_wait3A_436] : memref<2x2048x16xf32, #tpu.memory_space<vmem>> -> memref<1x2048x16xf32, #tpu.memory_space<vmem>>
          %dma_wait3A_438 = tpu.memref_squeeze %dma_wait3A_437 : memref<1x2048x16xf32, #tpu.memory_space<vmem>> -> memref<2048x16xf32, #tpu.memory_space<vmem>>
          tpu.wait_dma2 semaphore(%arg13 : memref<!tpu.dma_semaphore, #tpu.memory_space<semaphore_mem>>) src(%dma_wait3A_438 : memref<2048x16xf32, #tpu.memory_space<vmem>>) dst(%dma_wait3A_434 : memref<2048x16xf32, #tpu.memory_space<hbm>>)
        } else {
        }
        %scan3A_395 = arith.constant 0 : i32
        %scan3A_396 = arith.constant 0 : i32
        %scan3A_397 = arith.constant 64 : i32
        %scan3A_398 = arith.addi %scan3A_396, %scan3A_397 : i32
        %scan3A_399 = arith.constant 1 : i32
        scf.for %scan3A_418 = %scan3A_396 to %scan3A_398 step %scan3A_399  : i32 {
          %mul3A_419 = arith.constant 4 : i32
          %mul3A_420 = arith.muli %mul3A_419, %scan3A_418 : i32
          %add3A_421 = vector.broadcast %mul3A_420 : i32 to vector<16xi32>
          %add3A_422 = arith.addi %add3A_8, %add3A_421 : vector<16xi32>
          %gather3A = arith.constant 1 : i32
          %gather3A_423 = arith.constant 2 : i32
          %gather3A_424 = arith.constant 0 : i32
          %gather3A_425 = tpu.memref_slice %arg7[%gather3A, %gather3A_423, %gather3A_424] : memref<2x3x1024xi32, #tpu.memory_space<vmem>> -> memref<1x1x1024xi32, #tpu.memory_space<vmem>>
          %gather3A_426 = tpu.memref_squeeze %gather3A_425 : memref<1x1x1024xi32, #tpu.memory_space<vmem>> -> memref<1024xi32, #tpu.memory_space<vmem>>
          %gather3A_427 = tpu.vector_load_idx %gather3A_426[%add3A_422] : memref<1024xi32, #tpu.memory_space<vmem>>[vector<16xi32>], vector<16xi32>,
          %mul3A_428 = arith.constant 8 : i32
          %mul3A_429 = vector.broadcast %mul3A_428 : i32 to vector<16xi32>
          %mul3A_430 = arith.muli %gather3A_427, %mul3A_429 : vector<16xi32>
          %gather3A_431 = arith.constant 1 : i32
          %gather3A_432 = arith.constant 0 : i32
          %gather3A_433 = arith.constant 0 : i32
          %gather3A_434 = tpu.memref_slice %arg7[%gather3A_431, %gather3A_432, %gather3A_433] : memref<2x3x1024xi32, #tpu.memory_space<vmem>> -> memref<1x1x1024xi32, #tpu.memory_space<vmem>>
          %gather3A_435 = tpu.memref_squeeze %gather3A_434 : memref<1x1x1024xi32, #tpu.memory_space<vmem>> -> memref<1024xi32, #tpu.memory_space<vmem>>
          %gather3A_436 = tpu.vector_load_idx %gather3A_435[%add3A_422] : memref<1024xi32, #tpu.memory_space<vmem>>[vector<16xi32>], vector<16xi32>,
          %gather3A_437 = arith.constant 1 : i32
          %gather3A_438 = arith.constant 1 : i32
          %gather3A_439 = arith.constant 0 : i32
          %gather3A_440 = tpu.memref_slice %arg7[%gather3A_437, %gather3A_438, %gather3A_439] : memref<2x3x1024xi32, #tpu.memory_space<vmem>> -> memref<1x1x1024xi32, #tpu.memory_space<vmem>>
          %gather3A_441 = tpu.memref_squeeze %gather3A_440 : memref<1x1x1024xi32, #tpu.memory_space<vmem>> -> memref<1024xi32, #tpu.memory_space<vmem>>
          %gather3A_442 = tpu.vector_load_idx %gather3A_441[%add3A_422] : memref<1024xi32, #tpu.memory_space<vmem>>[vector<16xi32>], vector<16xi32>,
          %add3A_443 = arith.constant 12 : i32
          %add3A_444 = vector.broadcast %add3A_443 : i32 to vector<16xi32>
          %add3A_445 = arith.addi %gather3A_442, %add3A_444 : vector<16xi32>
          %shift_right_arithmetic3A_446 = arith.constant 3 : i32
          %shift_right_arithmetic3A_447 = vector.broadcast %shift_right_arithmetic3A_446 : i32 to vector<16xi32>
          %shift_right_arithmetic3A_448 = arith.shrsi %gather3A_436, %shift_right_arithmetic3A_447 : vector<16xi32>
          %mul3A_449 = arith.constant 819200 : i32
          %mul3A_450 = vector.broadcast %mul3A_449 : i32 to vector<16xi32>
          %mul3A_451 = arith.muli %shift_right_arithmetic3A_448, %mul3A_450 : vector<16xi32>
          %add3A_452 = arith.addi %mul3A_451, %mul3A_430 : vector<16xi32>
          %and3A_453 = arith.constant 7 : i32
          %and3A_454 = vector.broadcast %and3A_453 : i32 to vector<16xi32>
          %and3A_455 = arith.andi %gather3A_436, %and3A_454 : vector<16xi32>
          %add3A_456 = arith.addi %add3A_452, %and3A_455 : vector<16xi32>
          %shift_right_arithmetic3A_457 = arith.constant 3 : i32
          %shift_right_arithmetic3A_458 = vector.broadcast %shift_right_arithmetic3A_457 : i32 to vector<16xi32>
          %shift_right_arithmetic3A_459 = arith.shrsi %add3A_445, %shift_right_arithmetic3A_458 : vector<16xi32>
          %mul3A_460 = arith.constant 819200 : i32
          %mul3A_461 = vector.broadcast %mul3A_460 : i32 to vector<16xi32>
          %mul3A_462 = arith.muli %shift_right_arithmetic3A_459, %mul3A_461 : vector<16xi32>
          %add3A_463 = arith.addi %mul3A_462, %mul3A_430 : vector<16xi32>
          %and3A_464 = arith.constant 7 : i32
          %and3A_465 = vector.broadcast %and3A_464 : i32 to vector<16xi32>
          %and3A_466 = arith.andi %add3A_445, %and3A_465 : vector<16xi32>
          %add3A_467 = arith.addi %add3A_463, %and3A_466 : vector<16xi32>
          %mul3A_468 = arith.constant 2 : i32
          %mul3A_469 = vector.broadcast %mul3A_468 : i32 to vector<16xi32>
          %mul3A_470 = arith.muli %iota3A, %mul3A_469 : vector<16xi32>
          %mul3A_471 = arith.constant 32 : i32
          %mul3A_472 = arith.muli %scan3A_418, %mul3A_471 : i32
          %add3A_473 = vector.broadcast %mul3A_472 : i32 to vector<16xi32>
          %add3A_474 = arith.addi %mul3A_470, %add3A_473 : vector<16xi32>
          %scatter3A = arith.constant 1 : i32
          %scatter3A_475 = arith.constant 0 : i32
          %scatter3A_476 = tpu.memref_slice %arg8[%scatter3A, %scatter3A_475] : memref<2x2048xi32, #tpu.memory_space<vmem>> -> memref<1x2048xi32, #tpu.memory_space<vmem>>
          %scatter3A_477 = tpu.memref_squeeze %scatter3A_476 : memref<1x2048xi32, #tpu.memory_space<vmem>> -> memref<2048xi32, #tpu.memory_space<vmem>>
          tpu.vector_store_idx %scatter3A_477[%add3A_474], %add3A_456 : memref<2048xi32, #tpu.memory_space<vmem>>[vector<16xi32>], vector<16xi32>,
          %add3A_478 = arith.constant 1 : i32
          %add3A_479 = vector.broadcast %add3A_478 : i32 to vector<16xi32>
          %add3A_480 = arith.addi %add3A_474, %add3A_479 : vector<16xi32>
          %scatter3A_481 = arith.constant 1 : i32
          %scatter3A_482 = arith.constant 0 : i32
          %scatter3A_483 = tpu.memref_slice %arg8[%scatter3A_481, %scatter3A_482] : memref<2x2048xi32, #tpu.memory_space<vmem>> -> memref<1x2048xi32, #tpu.memory_space<vmem>>
          %scatter3A_484 = tpu.memref_squeeze %scatter3A_483 : memref<1x2048xi32, #tpu.memory_space<vmem>> -> memref<2048xi32, #tpu.memory_space<vmem>>
          tpu.vector_store_idx %scatter3A_484[%add3A_480], %add3A_467 : memref<2048xi32, #tpu.memory_space<vmem>>[vector<16xi32>], vector<16xi32>,
        }
        %scan3A_400 = arith.constant 64 : i32
        %dma_start3A_401 = arith.constant 1 : i32
        %dma_start3A_402 = arith.constant 1 : i32
        %dma_start3A_403 = arith.constant 0 : i32
        %dma_start3A_404 = arith.constant 0 : i32
        %dma_start3A_405 = tpu.memref_slice %arg9[%dma_start3A_402, %dma_start3A_403, %dma_start3A_404] : memref<2x2048x16xf32, #tpu.memory_space<vmem>> -> memref<1x2048x16xf32, #tpu.memory_space<vmem>>
        %dma_start3A_406 = tpu.memref_squeeze %dma_start3A_405 : memref<1x2048x16xf32, #tpu.memory_space<vmem>> -> memref<2048x16xf32, #tpu.memory_space<vmem>>
        %dma_start3A_407 = arith.constant 0 : i32
        %dma_start3A_408 = tpu.memref_slice %arg8[%dma_start3A_401, %dma_start3A_407] : memref<2x2048xi32, #tpu.memory_space<vmem>> -> memref<1x2048xi32, #tpu.memory_space<vmem>>
        %dma_start3A_409 = tpu.memref_squeeze %dma_start3A_408 : memref<1x2048xi32, #tpu.memory_space<vmem>> -> memref<2048xi32, #tpu.memory_space<vmem>>
        %dma_start3A_410 = arith.constant 0 : i32
        %dma_start3A_411 = arith.constant 0 : i32
        %dma_start3A_412 = tpu.memref_slice %arg2[%dma_start3A_410, %dma_start3A_411] : memref<2457600x16xf32, #tpu.memory_space<hbm>> -> memref<2457600x16xf32, #tpu.memory_space<hbm>>
        tpu.enqueue_indirect_dma source(%dma_start3A_412 : memref<2457600x16xf32, #tpu.memory_space<hbm>>) target(%dma_start3A_406 : memref<2048x16xf32, #tpu.memory_space<vmem>>) offsets(%dma_start3A_409 : memref<2048xi32, #tpu.memory_space<vmem>>) semaphore(%arg12 : memref<!tpu.dma_semaphore, #tpu.memory_space<semaphore_mem>>)
        %ge3A_413 = arith.constant 1 : i32
        %ge3A_414 = arith.cmpi sge, %add3A_238, %ge3A_413 : i32
        %convert_element_type3A_415 = arith.extui %ge3A_414 : i1 to i32
        %cond3A_416 = arith.constant 0 : i32
        %cond3A_417 = arith.cmpi ne, %convert_element_type3A_415, %cond3A_416 : i32
        scf.if %cond3A_417 {
          %dma_wait3A_418 = arith.constant 0 : i32
          %dma_wait3A_419 = arith.constant 0 : i32
          %dma_wait3A_420 = arith.constant 0 : i32
          %dma_wait3A_421 = arith.constant 0 : i32
          %dma_wait3A_422 = tpu.memref_slice %arg9[%dma_wait3A_419, %dma_wait3A_420, %dma_wait3A_421] : memref<2x2048x16xf32, #tpu.memory_space<vmem>> -> memref<1x2048x16xf32, #tpu.memory_space<vmem>>
          %dma_wait3A_423 = tpu.memref_squeeze %dma_wait3A_422 : memref<1x2048x16xf32, #tpu.memory_space<vmem>> -> memref<2048x16xf32, #tpu.memory_space<vmem>>
          %dma_wait3A_424 = arith.constant 0 : i32
          %dma_wait3A_425 = tpu.memref_slice %arg8[%dma_wait3A_418, %dma_wait3A_424] : memref<2x2048xi32, #tpu.memory_space<vmem>> -> memref<1x2048xi32, #tpu.memory_space<vmem>>
          %dma_wait3A_426 = tpu.memref_squeeze %dma_wait3A_425 : memref<1x2048xi32, #tpu.memory_space<vmem>> -> memref<2048xi32, #tpu.memory_space<vmem>>
          %dma_wait3A_427 = arith.constant 0 : i32
          %dma_wait3A_428 = arith.constant 0 : i32
          %dma_wait3A_429 = tpu.memref_slice %arg2[%dma_wait3A_427, %dma_wait3A_428] : memref<2457600x16xf32, #tpu.memory_space<hbm>> -> memref<2457600x16xf32, #tpu.memory_space<hbm>>
          tpu.wait_indirect_dma semaphore(%arg12 : memref<!tpu.dma_semaphore, #tpu.memory_space<semaphore_mem>>) src(%dma_wait3A_429 : memref<2457600x16xf32, #tpu.memory_space<hbm>>) dst(%dma_wait3A_423 : memref<2048x16xf32, #tpu.memory_space<vmem>>)
          %sub3A = arith.constant 1 : i32
          %sub3A_430 = arith.subi %add3A_238, %sub3A : i32
          %mul3A_431 = arith.constant 25 : i32
          %mul3A_432 = arith.muli %add3A, %mul3A_431 : i32
          %add3A_433 = arith.addi %mul3A_432, %sub3A_430 : i32
          %mul3A_434 = arith.constant 2 : i32
          %mul3A_435 = arith.muli %mul3A_434, %add3A_433 : i32
          %mul3A_436 = arith.constant 1024 : i32
          %mul3A_437 = arith.muli %mul3A_435, %mul3A_436 : i32
          %dma_start3A_438 = arith.constant 0 : i32
          %dma_start3A_439 = arith.constant 0 : i32
          %dma_start3A_440 = arith.constant 0 : i32
          %dma_start3A_441 = tpu.memref_slice %arg9[%dma_start3A_438, %dma_start3A_439, %dma_start3A_440] : memref<2x2048x16xf32, #tpu.memory_space<vmem>> -> memref<1x2048x16xf32, #tpu.memory_space<vmem>>
          %dma_start3A_442 = tpu.memref_squeeze %dma_start3A_441 : memref<1x2048x16xf32, #tpu.memory_space<vmem>> -> memref<2048x16xf32, #tpu.memory_space<vmem>>
          %dma_start3A_443 = arith.constant 0 : i32
          %dma_start3A_444 = tpu.memref_slice %arg6[%mul3A_437, %dma_start3A_443] : memref<1638400x16xf32, #tpu.memory_space<hbm>> -> memref<2048x16xf32, #tpu.memory_space<hbm>>
          %dma_start3A_445 = arith.constant 0 : i32
          %dma_start3A_446 = tpu.memref_slice %arg6[%mul3A_437, %dma_start3A_445] : memref<1638400x16xf32, #tpu.memory_space<hbm>> -> memref<2048x16xf32, #tpu.memory_space<hbm>>
          %dma_start3A_447 = arith.constant 0 : i32
          %dma_start3A_448 = arith.constant 0 : i32
          %dma_start3A_449 = tpu.memref_slice %arg9[%dma_start3A_438, %dma_start3A_447, %dma_start3A_448] : memref<2x2048x16xf32, #tpu.memory_space<vmem>> -> memref<1x2048x16xf32, #tpu.memory_space<vmem>>
          %dma_start3A_450 = tpu.memref_squeeze %dma_start3A_449 : memref<1x2048x16xf32, #tpu.memory_space<vmem>> -> memref<2048x16xf32, #tpu.memory_space<vmem>>
          tpu.enqueue_dma source(%dma_start3A_450 : memref<2048x16xf32, #tpu.memory_space<vmem>>) target(%dma_start3A_446 : memref<2048x16xf32, #tpu.memory_space<hbm>>) target_semaphore(%arg13 : memref<!tpu.dma_semaphore, #tpu.memory_space<semaphore_mem>>)
        } else {
        }
      } else {
      }
    }
    %scan3A_153 = arith.constant 13 : i32
    %dma_wait3A = arith.constant 0 : i32
    %dma_wait3A_154 = arith.constant 0 : i32
    %dma_wait3A_155 = arith.constant 0 : i32
    %dma_wait3A_156 = arith.constant 0 : i32
    %dma_wait3A_157 = tpu.memref_slice %arg9[%dma_wait3A_154, %dma_wait3A_155, %dma_wait3A_156] : memref<2x2048x16xf32, #tpu.memory_space<vmem>> -> memref<1x2048x16xf32, #tpu.memory_space<vmem>>
    %dma_wait3A_158 = tpu.memref_squeeze %dma_wait3A_157 : memref<1x2048x16xf32, #tpu.memory_space<vmem>> -> memref<2048x16xf32, #tpu.memory_space<vmem>>
    %dma_wait3A_159 = arith.constant 0 : i32
    %dma_wait3A_160 = tpu.memref_slice %arg8[%dma_wait3A, %dma_wait3A_159] : memref<2x2048xi32, #tpu.memory_space<vmem>> -> memref<1x2048xi32, #tpu.memory_space<vmem>>
    %dma_wait3A_161 = tpu.memref_squeeze %dma_wait3A_160 : memref<1x2048xi32, #tpu.memory_space<vmem>> -> memref<2048xi32, #tpu.memory_space<vmem>>
    %dma_wait3A_162 = arith.constant 0 : i32
    %dma_wait3A_163 = arith.constant 0 : i32
    %dma_wait3A_164 = tpu.memref_slice %arg2[%dma_wait3A_162, %dma_wait3A_163] : memref<2457600x16xf32, #tpu.memory_space<hbm>> -> memref<2457600x16xf32, #tpu.memory_space<hbm>>
    tpu.wait_indirect_dma semaphore(%arg12 : memref<!tpu.dma_semaphore, #tpu.memory_space<semaphore_mem>>) src(%dma_wait3A_164 : memref<2457600x16xf32, #tpu.memory_space<hbm>>) dst(%dma_wait3A_158 : memref<2048x16xf32, #tpu.memory_space<vmem>>)
    %mul3A_165 = arith.constant 25 : i32
    %mul3A_166 = arith.muli %add3A, %mul3A_165 : i32
    %add3A_167 = arith.constant 24 : i32
    %add3A_168 = arith.addi %mul3A_166, %add3A_167 : i32
    %mul3A_169 = arith.constant 2 : i32
    %mul3A_170 = arith.muli %mul3A_169, %add3A_168 : i32
    %mul3A_171 = arith.constant 1024 : i32
    %mul3A_172 = arith.muli %mul3A_170, %mul3A_171 : i32
    %dma_start3A_173 = arith.constant 0 : i32
    %dma_start3A_174 = arith.constant 0 : i32
    %dma_start3A_175 = arith.constant 0 : i32
    %dma_start3A_176 = tpu.memref_slice %arg9[%dma_start3A_173, %dma_start3A_174, %dma_start3A_175] : memref<2x2048x16xf32, #tpu.memory_space<vmem>> -> memref<1x2048x16xf32, #tpu.memory_space<vmem>>
    %dma_start3A_177 = tpu.memref_squeeze %dma_start3A_176 : memref<1x2048x16xf32, #tpu.memory_space<vmem>> -> memref<2048x16xf32, #tpu.memory_space<vmem>>
    %dma_start3A_178 = arith.constant 0 : i32
    %dma_start3A_179 = tpu.memref_slice %arg6[%mul3A_172, %dma_start3A_178] : memref<1638400x16xf32, #tpu.memory_space<hbm>> -> memref<2048x16xf32, #tpu.memory_space<hbm>>
    %dma_start3A_180 = arith.constant 0 : i32
    %dma_start3A_181 = tpu.memref_slice %arg6[%mul3A_172, %dma_start3A_180] : memref<1638400x16xf32, #tpu.memory_space<hbm>> -> memref<2048x16xf32, #tpu.memory_space<hbm>>
    %dma_start3A_182 = arith.constant 0 : i32
    %dma_start3A_183 = arith.constant 0 : i32
    %dma_start3A_184 = tpu.memref_slice %arg9[%dma_start3A_173, %dma_start3A_182, %dma_start3A_183] : memref<2x2048x16xf32, #tpu.memory_space<vmem>> -> memref<1x2048x16xf32, #tpu.memory_space<vmem>>
    %dma_start3A_185 = tpu.memref_squeeze %dma_start3A_184 : memref<1x2048x16xf32, #tpu.memory_space<vmem>> -> memref<2048x16xf32, #tpu.memory_space<vmem>>
    tpu.enqueue_dma source(%dma_start3A_185 : memref<2048x16xf32, #tpu.memory_space<vmem>>) target(%dma_start3A_181 : memref<2048x16xf32, #tpu.memory_space<hbm>>) target_semaphore(%arg13 : memref<!tpu.dma_semaphore, #tpu.memory_space<semaphore_mem>>)
    %mul3A_186 = arith.constant 25 : i32
    %mul3A_187 = arith.muli %add3A, %mul3A_186 : i32
    %add3A_188 = arith.constant 23 : i32
    %add3A_189 = arith.addi %mul3A_187, %add3A_188 : i32
    %mul3A_190 = arith.constant 2 : i32
    %mul3A_191 = arith.muli %mul3A_190, %add3A_189 : i32
    %mul3A_192 = arith.constant 1024 : i32
    %mul3A_193 = arith.muli %mul3A_191, %mul3A_192 : i32
    %dma_wait3A_194 = arith.constant 1 : i32
    %dma_wait3A_195 = arith.constant 0 : i32
    %dma_wait3A_196 = arith.constant 0 : i32
    %dma_wait3A_197 = tpu.memref_slice %arg9[%dma_wait3A_194, %dma_wait3A_195, %dma_wait3A_196] : memref<2x2048x16xf32, #tpu.memory_space<vmem>> -> memref<1x2048x16xf32, #tpu.memory_space<vmem>>
    %dma_wait3A_198 = tpu.memref_squeeze %dma_wait3A_197 : memref<1x2048x16xf32, #tpu.memory_space<vmem>> -> memref<2048x16xf32, #tpu.memory_space<vmem>>
    %dma_wait3A_199 = arith.constant 0 : i32
    %dma_wait3A_200 = tpu.memref_slice %arg6[%mul3A_193, %dma_wait3A_199] : memref<1638400x16xf32, #tpu.memory_space<hbm>> -> memref<2048x16xf32, #tpu.memory_space<hbm>>
    %dma_wait3A_201 = arith.constant 0 : i32
    %dma_wait3A_202 = tpu.memref_slice %arg6[%mul3A_193, %dma_wait3A_201] : memref<1638400x16xf32, #tpu.memory_space<hbm>> -> memref<2048x16xf32, #tpu.memory_space<hbm>>
    %dma_wait3A_203 = arith.constant 0 : i32
    %dma_wait3A_204 = arith.constant 0 : i32
    %dma_wait3A_205 = tpu.memref_slice %arg9[%dma_wait3A_194, %dma_wait3A_203, %dma_wait3A_204] : memref<2x2048x16xf32, #tpu.memory_space<vmem>> -> memref<1x2048x16xf32, #tpu.memory_space<vmem>>
    %dma_wait3A_206 = tpu.memref_squeeze %dma_wait3A_205 : memref<1x2048x16xf32, #tpu.memory_space<vmem>> -> memref<2048x16xf32, #tpu.memory_space<vmem>>
    tpu.wait_dma2 semaphore(%arg13 : memref<!tpu.dma_semaphore, #tpu.memory_space<semaphore_mem>>) src(%dma_wait3A_206 : memref<2048x16xf32, #tpu.memory_space<vmem>>) dst(%dma_wait3A_202 : memref<2048x16xf32, #tpu.memory_space<hbm>>)
    %mul3A_207 = arith.constant 25 : i32
    %mul3A_208 = arith.muli %add3A, %mul3A_207 : i32
    %add3A_209 = arith.constant 24 : i32
    %add3A_210 = arith.addi %mul3A_208, %add3A_209 : i32
    %mul3A_211 = arith.constant 2 : i32
    %mul3A_212 = arith.muli %mul3A_211, %add3A_210 : i32
    %mul3A_213 = arith.constant 1024 : i32
    %mul3A_214 = arith.muli %mul3A_212, %mul3A_213 : i32
    %dma_wait3A_215 = arith.constant 0 : i32
    %dma_wait3A_216 = arith.constant 0 : i32
    %dma_wait3A_217 = arith.constant 0 : i32
    %dma_wait3A_218 = tpu.memref_slice %arg9[%dma_wait3A_215, %dma_wait3A_216, %dma_wait3A_217] : memref<2x2048x16xf32, #tpu.memory_space<vmem>> -> memref<1x2048x16xf32, #tpu.memory_space<vmem>>
    %dma_wait3A_219 = tpu.memref_squeeze %dma_wait3A_218 : memref<1x2048x16xf32, #tpu.memory_space<vmem>> -> memref<2048x16xf32, #tpu.memory_space<vmem>>
    %dma_wait3A_220 = arith.constant 0 : i32
    %dma_wait3A_221 = tpu.memref_slice %arg6[%mul3A_214, %dma_wait3A_220] : memref<1638400x16xf32, #tpu.memory_space<hbm>> -> memref<2048x16xf32, #tpu.memory_space<hbm>>
    %dma_wait3A_222 = arith.constant 0 : i32
    %dma_wait3A_223 = tpu.memref_slice %arg6[%mul3A_214, %dma_wait3A_222] : memref<1638400x16xf32, #tpu.memory_space<hbm>> -> memref<2048x16xf32, #tpu.memory_space<hbm>>
    %dma_wait3A_224 = arith.constant 0 : i32
    %dma_wait3A_225 = arith.constant 0 : i32
    %dma_wait3A_226 = tpu.memref_slice %arg9[%dma_wait3A_215, %dma_wait3A_224, %dma_wait3A_225] : memref<2x2048x16xf32, #tpu.memory_space<vmem>> -> memref<1x2048x16xf32, #tpu.memory_space<vmem>>
    %dma_wait3A_227 = tpu.memref_squeeze %dma_wait3A_226 : memref<1x2048x16xf32, #tpu.memory_space<vmem>> -> memref<2048x16xf32, #tpu.memory_space<vmem>>
    tpu.wait_dma2 semaphore(%arg13 : memref<!tpu.dma_semaphore, #tpu.memory_space<semaphore_mem>>) src(%dma_wait3A_227 : memref<2048x16xf32, #tpu.memory_space<vmem>>) dst(%dma_wait3A_223 : memref<2048x16xf32, #tpu.memory_space<hbm>>)
    return
  }
}

module attributes {stable_mosaic.version = 14 : i64} {
  func.func @_tc_transpose_body(%arg0: i32, %arg1: memref<192x4096xf32, #tpu.memory_space<vmem>>, %arg2: memref<80x4096xf32, #tpu.memory_space<vmem>>, %arg3: memref<3x4096x128xf32, #tpu.memory_space<vmem>>) attributes {dimension_semantics = [#tpu.dimension_semantics<arbitrary>], iteration_bounds = array<i64: 25>, scalar_prefetch = 0 : i64, scratch_operands = 0 : i64, tpu.core_type = #tpu.core_type<tc>, window_params = [{transform_indices = @transform_0, window_bounds = array<i64: 192, 4096>}, {transform_indices = @transform_1, window_bounds = array<i64: 80, 4096>}, {transform_indices = @transform_2, window_bounds = array<i64: 3, 4096, 128>}]} {
    %get3A = arith.constant 0 : index
    %get3A_0 = arith.constant 0 : index
    %get3A_1 = vector.load %arg1[%get3A, %get3A_0] : memref<192x4096xf32, #tpu.memory_space<vmem>>, vector<128x4096xf32>
    %transpose3A = tpu.transpose %get3A_1, [1, 0] : vector<128x4096xf32> -> vector<4096x128xf32>
    %swap3A = arith.constant 0 : index
    %swap3A_2 = arith.constant 0 : index
    %swap3A_3 = arith.constant 0 : index
    %swap3A_4 = vector.load %arg3[%swap3A, %swap3A_2, %swap3A_3] : memref<3x4096x128xf32, #tpu.memory_space<vmem>>, vector<1x4096x128xf32>
    %swap3A_5 = vector.shape_cast %swap3A_4 : vector<1x4096x128xf32> to vector<4096x128xf32>
    %swap3A_6 = vector.shape_cast %transpose3A : vector<4096x128xf32> to vector<1x4096x128xf32>
    tpu.vector_store %arg3[%swap3A, %swap3A_2, %swap3A_3], %swap3A_6 {strides = array<i32>} : memref<3x4096x128xf32, #tpu.memory_space<vmem>>, vector<1x4096x128xf32>,
    %get3A_7 = arith.constant 128 : index
    %get3A_8 = arith.constant 0 : index
    %get3A_9 = vector.load %arg1[%get3A_7, %get3A_8] : memref<192x4096xf32, #tpu.memory_space<vmem>>, vector<64x4096xf32>
    %get3A_10 = arith.constant 0 : index
    %get3A_11 = arith.constant 0 : index
    %get3A_12 = vector.load %arg2[%get3A_10, %get3A_11] : memref<80x4096xf32, #tpu.memory_space<vmem>>, vector<64x4096xf32>
    %concatenate3A = tpu.concatenate %get3A_9, %get3A_12 in 0 : vector<64x4096xf32>, vector<64x4096xf32> -> vector<128x4096xf32>
    %transpose3A_13 = tpu.transpose %concatenate3A, [1, 0] : vector<128x4096xf32> -> vector<4096x128xf32>
    %swap3A_14 = arith.constant 1 : index
    %swap3A_15 = arith.constant 0 : index
    %swap3A_16 = arith.constant 0 : index
    %swap3A_17 = vector.load %arg3[%swap3A_14, %swap3A_15, %swap3A_16] : memref<3x4096x128xf32, #tpu.memory_space<vmem>>, vector<1x4096x128xf32>
    %swap3A_18 = vector.shape_cast %swap3A_17 : vector<1x4096x128xf32> to vector<4096x128xf32>
    %swap3A_19 = vector.shape_cast %transpose3A_13 : vector<4096x128xf32> to vector<1x4096x128xf32>
    tpu.vector_store %arg3[%swap3A_14, %swap3A_15, %swap3A_16], %swap3A_19 {strides = array<i32>} : memref<3x4096x128xf32, #tpu.memory_space<vmem>>, vector<1x4096x128xf32>,
    %get3A_20 = arith.constant 64 : index
    %get3A_21 = arith.constant 0 : index
    %get3A_22 = vector.load %arg2[%get3A_20, %get3A_21] : memref<80x4096xf32, #tpu.memory_space<vmem>>, vector<16x4096xf32>
    %transpose3A_23 = tpu.transpose %get3A_22, [1, 0] : vector<16x4096xf32> -> vector<4096x16xf32>
    %swap3A_24 = arith.constant 2 : index
    %swap3A_25 = arith.constant 0 : index
    %swap3A_26 = arith.constant 0 : index
    %swap3A_27 = vector.load %arg3[%swap3A_24, %swap3A_25, %swap3A_26] : memref<3x4096x128xf32, #tpu.memory_space<vmem>>, vector<1x4096x16xf32>
    %swap3A_28 = vector.shape_cast %swap3A_27 : vector<1x4096x16xf32> to vector<4096x16xf32>
    %swap3A_29 = vector.shape_cast %transpose3A_23 : vector<4096x16xf32> to vector<1x4096x16xf32>
    tpu.vector_store %arg3[%swap3A_24, %swap3A_25, %swap3A_26], %swap3A_29 {strides = array<i32>} : memref<3x4096x128xf32, #tpu.memory_space<vmem>>, vector<1x4096x16xf32>,
    return
  }
  func.func @transform_0(%arg0: i32) -> (i32, i32) {
    %c0_i32 = arith.constant 0 : i32
    %c0_i32_0 = arith.constant 0 : i32
    return %c0_i32, %arg0 : i32, i32
  }
  func.func @transform_1(%arg0: i32) -> (i32, i32) {
    %c0_i32 = arith.constant 0 : i32
    %c0_i32_0 = arith.constant 0 : i32
    return %c0_i32, %arg0 : i32, i32
  }
  func.func @transform_2(%arg0: i32) -> (i32, i32, i32) {
    %c0_i32 = arith.constant 0 : i32
    %c0_i32_0 = arith.constant 0 : i32
    %c0_i32_1 = arith.constant 0 : i32
    return %c0_i32, %arg0, %c0_i32_0 : i32, i32, i32
  }
}

module attributes {stable_mosaic.version = 14 : i64} {
  func.func @_tc_relayout_body(%arg0: i32, %arg1: memref<8x1024x128xf32, #tpu.memory_space<vmem>>, %arg2: memref<8x32x4096xf32, #tpu.memory_space<vmem>>) attributes {dimension_semantics = [#tpu.dimension_semantics<arbitrary>], iteration_bounds = array<i64: 25>, scalar_prefetch = 0 : i64, scratch_operands = 0 : i64, tpu.core_type = #tpu.core_type<tc>, window_params = [{transform_indices = @transform_0, window_bounds = array<i64: 8, 1024, 128>}, {transform_indices = @transform_1, window_bounds = array<i64: 8, 32, 4096>}]} {
    %get3A = arith.constant 0 : index
    %get3A_0 = arith.constant 0 : index
    %get3A_1 = arith.constant 0 : index
    %get3A_2 = vector.load %arg1[%get3A, %get3A_0, %get3A_1] : memref<8x1024x128xf32, #tpu.memory_space<vmem>>, vector<1x1024x128xf32>
    %get3A_3 = vector.shape_cast %get3A_2 : vector<1x1024x128xf32> to vector<1024x128xf32>
    %transpose3A = tpu.transpose %get3A_3, [1, 0] : vector<1024x128xf32> -> vector<128x1024xf32>
    %slice3A = vector.extract_strided_slice %transpose3A {offsets = [0, 0], sizes = [32, 1024], strides = [1, 1]} : vector<128x1024xf32> to vector<32x1024xf32>
    %swap3A = arith.constant 0 : index
    %swap3A_4 = arith.constant 0 : index
    %swap3A_5 = arith.constant 0 : index
    %swap3A_6 = vector.load %arg2[%swap3A, %swap3A_4, %swap3A_5] : memref<8x32x4096xf32, #tpu.memory_space<vmem>>, vector<1x32x1024xf32>
    %swap3A_7 = vector.shape_cast %swap3A_6 : vector<1x32x1024xf32> to vector<32x1024xf32>
    %swap3A_8 = vector.shape_cast %slice3A : vector<32x1024xf32> to vector<1x32x1024xf32>
    tpu.vector_store %arg2[%swap3A, %swap3A_4, %swap3A_5], %swap3A_8 {strides = array<i32>} : memref<8x32x4096xf32, #tpu.memory_space<vmem>>, vector<1x32x1024xf32>,
    %slice3A_9 = vector.extract_strided_slice %transpose3A {offsets = [32, 0], sizes = [32, 1024], strides = [1, 1]} : vector<128x1024xf32> to vector<32x1024xf32>
    %swap3A_10 = arith.constant 0 : index
    %swap3A_11 = arith.constant 0 : index
    %swap3A_12 = arith.constant 1024 : index
    %swap3A_13 = vector.load %arg2[%swap3A_10, %swap3A_11, %swap3A_12] : memref<8x32x4096xf32, #tpu.memory_space<vmem>>, vector<1x32x1024xf32>
    %swap3A_14 = vector.shape_cast %swap3A_13 : vector<1x32x1024xf32> to vector<32x1024xf32>
    %swap3A_15 = vector.shape_cast %slice3A_9 : vector<32x1024xf32> to vector<1x32x1024xf32>
    tpu.vector_store %arg2[%swap3A_10, %swap3A_11, %swap3A_12], %swap3A_15 {strides = array<i32>} : memref<8x32x4096xf32, #tpu.memory_space<vmem>>, vector<1x32x1024xf32>,
    %slice3A_16 = vector.extract_strided_slice %transpose3A {offsets = [64, 0], sizes = [32, 1024], strides = [1, 1]} : vector<128x1024xf32> to vector<32x1024xf32>
    %swap3A_17 = arith.constant 0 : index
    %swap3A_18 = arith.constant 0 : index
    %swap3A_19 = arith.constant 2048 : index
    %swap3A_20 = vector.load %arg2[%swap3A_17, %swap3A_18, %swap3A_19] : memref<8x32x4096xf32, #tpu.memory_space<vmem>>, vector<1x32x1024xf32>
    %swap3A_21 = vector.shape_cast %swap3A_20 : vector<1x32x1024xf32> to vector<32x1024xf32>
    %swap3A_22 = vector.shape_cast %slice3A_16 : vector<32x1024xf32> to vector<1x32x1024xf32>
    tpu.vector_store %arg2[%swap3A_17, %swap3A_18, %swap3A_19], %swap3A_22 {strides = array<i32>} : memref<8x32x4096xf32, #tpu.memory_space<vmem>>, vector<1x32x1024xf32>,
    %slice3A_23 = vector.extract_strided_slice %transpose3A {offsets = [96, 0], sizes = [32, 1024], strides = [1, 1]} : vector<128x1024xf32> to vector<32x1024xf32>
    %swap3A_24 = arith.constant 0 : index
    %swap3A_25 = arith.constant 0 : index
    %swap3A_26 = arith.constant 3072 : index
    %swap3A_27 = vector.load %arg2[%swap3A_24, %swap3A_25, %swap3A_26] : memref<8x32x4096xf32, #tpu.memory_space<vmem>>, vector<1x32x1024xf32>
    %swap3A_28 = vector.shape_cast %swap3A_27 : vector<1x32x1024xf32> to vector<32x1024xf32>
    %swap3A_29 = vector.shape_cast %slice3A_23 : vector<32x1024xf32> to vector<1x32x1024xf32>
    tpu.vector_store %arg2[%swap3A_24, %swap3A_25, %swap3A_26], %swap3A_29 {strides = array<i32>} : memref<8x32x4096xf32, #tpu.memory_space<vmem>>, vector<1x32x1024xf32>,
    %get3A_30 = arith.constant 1 : index
    %get3A_31 = arith.constant 0 : index
    %get3A_32 = arith.constant 0 : index
    %get3A_33 = vector.load %arg1[%get3A_30, %get3A_31, %get3A_32] : memref<8x1024x128xf32, #tpu.memory_space<vmem>>, vector<1x1024x128xf32>
    %get3A_34 = vector.shape_cast %get3A_33 : vector<1x1024x128xf32> to vector<1024x128xf32>
    %transpose3A_35 = tpu.transpose %get3A_34, [1, 0] : vector<1024x128xf32> -> vector<128x1024xf32>
    %slice3A_36 = vector.extract_strided_slice %transpose3A_35 {offsets = [0, 0], sizes = [32, 1024], strides = [1, 1]} : vector<128x1024xf32> to vector<32x1024xf32>
    %swap3A_37 = arith.constant 1 : index
    %swap3A_38 = arith.constant 0 : index
    %swap3A_39 = arith.constant 0 : index
    %swap3A_40 = vector.load %arg2[%swap3A_37, %swap3A_38, %swap3A_39] : memref<8x32x4096xf32, #tpu.memory_space<vmem>>, vector<1x32x1024xf32>
    %swap3A_41 = vector.shape_cast %swap3A_40 : vector<1x32x1024xf32> to vector<32x1024xf32>
    %swap3A_42 = vector.shape_cast %slice3A_36 : vector<32x1024xf32> to vector<1x32x1024xf32>
    tpu.vector_store %arg2[%swap3A_37, %swap3A_38, %swap3A_39], %swap3A_42 {strides = array<i32>} : memref<8x32x4096xf32, #tpu.memory_space<vmem>>, vector<1x32x1024xf32>,
    %slice3A_43 = vector.extract_strided_slice %transpose3A_35 {offsets = [32, 0], sizes = [32, 1024], strides = [1, 1]} : vector<128x1024xf32> to vector<32x1024xf32>
    %swap3A_44 = arith.constant 1 : index
    %swap3A_45 = arith.constant 0 : index
    %swap3A_46 = arith.constant 1024 : index
    %swap3A_47 = vector.load %arg2[%swap3A_44, %swap3A_45, %swap3A_46] : memref<8x32x4096xf32, #tpu.memory_space<vmem>>, vector<1x32x1024xf32>
    %swap3A_48 = vector.shape_cast %swap3A_47 : vector<1x32x1024xf32> to vector<32x1024xf32>
    %swap3A_49 = vector.shape_cast %slice3A_43 : vector<32x1024xf32> to vector<1x32x1024xf32>
    tpu.vector_store %arg2[%swap3A_44, %swap3A_45, %swap3A_46], %swap3A_49 {strides = array<i32>} : memref<8x32x4096xf32, #tpu.memory_space<vmem>>, vector<1x32x1024xf32>,
    %slice3A_50 = vector.extract_strided_slice %transpose3A_35 {offsets = [64, 0], sizes = [32, 1024], strides = [1, 1]} : vector<128x1024xf32> to vector<32x1024xf32>
    %swap3A_51 = arith.constant 1 : index
    %swap3A_52 = arith.constant 0 : index
    %swap3A_53 = arith.constant 2048 : index
    %swap3A_54 = vector.load %arg2[%swap3A_51, %swap3A_52, %swap3A_53] : memref<8x32x4096xf32, #tpu.memory_space<vmem>>, vector<1x32x1024xf32>
    %swap3A_55 = vector.shape_cast %swap3A_54 : vector<1x32x1024xf32> to vector<32x1024xf32>
    %swap3A_56 = vector.shape_cast %slice3A_50 : vector<32x1024xf32> to vector<1x32x1024xf32>
    tpu.vector_store %arg2[%swap3A_51, %swap3A_52, %swap3A_53], %swap3A_56 {strides = array<i32>} : memref<8x32x4096xf32, #tpu.memory_space<vmem>>, vector<1x32x1024xf32>,
    %slice3A_57 = vector.extract_strided_slice %transpose3A_35 {offsets = [96, 0], sizes = [32, 1024], strides = [1, 1]} : vector<128x1024xf32> to vector<32x1024xf32>
    %swap3A_58 = arith.constant 1 : index
    %swap3A_59 = arith.constant 0 : index
    %swap3A_60 = arith.constant 3072 : index
    %swap3A_61 = vector.load %arg2[%swap3A_58, %swap3A_59, %swap3A_60] : memref<8x32x4096xf32, #tpu.memory_space<vmem>>, vector<1x32x1024xf32>
    %swap3A_62 = vector.shape_cast %swap3A_61 : vector<1x32x1024xf32> to vector<32x1024xf32>
    %swap3A_63 = vector.shape_cast %slice3A_57 : vector<32x1024xf32> to vector<1x32x1024xf32>
    tpu.vector_store %arg2[%swap3A_58, %swap3A_59, %swap3A_60], %swap3A_63 {strides = array<i32>} : memref<8x32x4096xf32, #tpu.memory_space<vmem>>, vector<1x32x1024xf32>,
    %get3A_64 = arith.constant 2 : index
    %get3A_65 = arith.constant 0 : index
    %get3A_66 = arith.constant 0 : index
    %get3A_67 = vector.load %arg1[%get3A_64, %get3A_65, %get3A_66] : memref<8x1024x128xf32, #tpu.memory_space<vmem>>, vector<1x1024x128xf32>
    %get3A_68 = vector.shape_cast %get3A_67 : vector<1x1024x128xf32> to vector<1024x128xf32>
    %transpose3A_69 = tpu.transpose %get3A_68, [1, 0] : vector<1024x128xf32> -> vector<128x1024xf32>
    %slice3A_70 = vector.extract_strided_slice %transpose3A_69 {offsets = [0, 0], sizes = [32, 1024], strides = [1, 1]} : vector<128x1024xf32> to vector<32x1024xf32>
    %swap3A_71 = arith.constant 2 : index
    %swap3A_72 = arith.constant 0 : index
    %swap3A_73 = arith.constant 0 : index
    %swap3A_74 = vector.load %arg2[%swap3A_71, %swap3A_72, %swap3A_73] : memref<8x32x4096xf32, #tpu.memory_space<vmem>>, vector<1x32x1024xf32>
    %swap3A_75 = vector.shape_cast %swap3A_74 : vector<1x32x1024xf32> to vector<32x1024xf32>
    %swap3A_76 = vector.shape_cast %slice3A_70 : vector<32x1024xf32> to vector<1x32x1024xf32>
    tpu.vector_store %arg2[%swap3A_71, %swap3A_72, %swap3A_73], %swap3A_76 {strides = array<i32>} : memref<8x32x4096xf32, #tpu.memory_space<vmem>>, vector<1x32x1024xf32>,
    %slice3A_77 = vector.extract_strided_slice %transpose3A_69 {offsets = [32, 0], sizes = [32, 1024], strides = [1, 1]} : vector<128x1024xf32> to vector<32x1024xf32>
    %swap3A_78 = arith.constant 2 : index
    %swap3A_79 = arith.constant 0 : index
    %swap3A_80 = arith.constant 1024 : index
    %swap3A_81 = vector.load %arg2[%swap3A_78, %swap3A_79, %swap3A_80] : memref<8x32x4096xf32, #tpu.memory_space<vmem>>, vector<1x32x1024xf32>
    %swap3A_82 = vector.shape_cast %swap3A_81 : vector<1x32x1024xf32> to vector<32x1024xf32>
    %swap3A_83 = vector.shape_cast %slice3A_77 : vector<32x1024xf32> to vector<1x32x1024xf32>
    tpu.vector_store %arg2[%swap3A_78, %swap3A_79, %swap3A_80], %swap3A_83 {strides = array<i32>} : memref<8x32x4096xf32, #tpu.memory_space<vmem>>, vector<1x32x1024xf32>,
    %slice3A_84 = vector.extract_strided_slice %transpose3A_69 {offsets = [64, 0], sizes = [32, 1024], strides = [1, 1]} : vector<128x1024xf32> to vector<32x1024xf32>
    %swap3A_85 = arith.constant 2 : index
    %swap3A_86 = arith.constant 0 : index
    %swap3A_87 = arith.constant 2048 : index
    %swap3A_88 = vector.load %arg2[%swap3A_85, %swap3A_86, %swap3A_87] : memref<8x32x4096xf32, #tpu.memory_space<vmem>>, vector<1x32x1024xf32>
    %swap3A_89 = vector.shape_cast %swap3A_88 : vector<1x32x1024xf32> to vector<32x1024xf32>
    %swap3A_90 = vector.shape_cast %slice3A_84 : vector<32x1024xf32> to vector<1x32x1024xf32>
    tpu.vector_store %arg2[%swap3A_85, %swap3A_86, %swap3A_87], %swap3A_90 {strides = array<i32>} : memref<8x32x4096xf32, #tpu.memory_space<vmem>>, vector<1x32x1024xf32>,
    %slice3A_91 = vector.extract_strided_slice %transpose3A_69 {offsets = [96, 0], sizes = [32, 1024], strides = [1, 1]} : vector<128x1024xf32> to vector<32x1024xf32>
    %swap3A_92 = arith.constant 2 : index
    %swap3A_93 = arith.constant 0 : index
    %swap3A_94 = arith.constant 3072 : index
    %swap3A_95 = vector.load %arg2[%swap3A_92, %swap3A_93, %swap3A_94] : memref<8x32x4096xf32, #tpu.memory_space<vmem>>, vector<1x32x1024xf32>
    %swap3A_96 = vector.shape_cast %swap3A_95 : vector<1x32x1024xf32> to vector<32x1024xf32>
    %swap3A_97 = vector.shape_cast %slice3A_91 : vector<32x1024xf32> to vector<1x32x1024xf32>
    tpu.vector_store %arg2[%swap3A_92, %swap3A_93, %swap3A_94], %swap3A_97 {strides = array<i32>} : memref<8x32x4096xf32, #tpu.memory_space<vmem>>, vector<1x32x1024xf32>,
    %get3A_98 = arith.constant 3 : index
    %get3A_99 = arith.constant 0 : index
    %get3A_100 = arith.constant 0 : index
    %get3A_101 = vector.load %arg1[%get3A_98, %get3A_99, %get3A_100] : memref<8x1024x128xf32, #tpu.memory_space<vmem>>, vector<1x1024x128xf32>
    %get3A_102 = vector.shape_cast %get3A_101 : vector<1x1024x128xf32> to vector<1024x128xf32>
    %transpose3A_103 = tpu.transpose %get3A_102, [1, 0] : vector<1024x128xf32> -> vector<128x1024xf32>
    %slice3A_104 = vector.extract_strided_slice %transpose3A_103 {offsets = [0, 0], sizes = [32, 1024], strides = [1, 1]} : vector<128x1024xf32> to vector<32x1024xf32>
    %swap3A_105 = arith.constant 3 : index
    %swap3A_106 = arith.constant 0 : index
    %swap3A_107 = arith.constant 0 : index
    %swap3A_108 = vector.load %arg2[%swap3A_105, %swap3A_106, %swap3A_107] : memref<8x32x4096xf32, #tpu.memory_space<vmem>>, vector<1x32x1024xf32>
    %swap3A_109 = vector.shape_cast %swap3A_108 : vector<1x32x1024xf32> to vector<32x1024xf32>
    %swap3A_110 = vector.shape_cast %slice3A_104 : vector<32x1024xf32> to vector<1x32x1024xf32>
    tpu.vector_store %arg2[%swap3A_105, %swap3A_106, %swap3A_107], %swap3A_110 {strides = array<i32>} : memref<8x32x4096xf32, #tpu.memory_space<vmem>>, vector<1x32x1024xf32>,
    %slice3A_111 = vector.extract_strided_slice %transpose3A_103 {offsets = [32, 0], sizes = [32, 1024], strides = [1, 1]} : vector<128x1024xf32> to vector<32x1024xf32>
    %swap3A_112 = arith.constant 3 : index
    %swap3A_113 = arith.constant 0 : index
    %swap3A_114 = arith.constant 1024 : index
    %swap3A_115 = vector.load %arg2[%swap3A_112, %swap3A_113, %swap3A_114] : memref<8x32x4096xf32, #tpu.memory_space<vmem>>, vector<1x32x1024xf32>
    %swap3A_116 = vector.shape_cast %swap3A_115 : vector<1x32x1024xf32> to vector<32x1024xf32>
    %swap3A_117 = vector.shape_cast %slice3A_111 : vector<32x1024xf32> to vector<1x32x1024xf32>
    tpu.vector_store %arg2[%swap3A_112, %swap3A_113, %swap3A_114], %swap3A_117 {strides = array<i32>} : memref<8x32x4096xf32, #tpu.memory_space<vmem>>, vector<1x32x1024xf32>,
    %slice3A_118 = vector.extract_strided_slice %transpose3A_103 {offsets = [64, 0], sizes = [32, 1024], strides = [1, 1]} : vector<128x1024xf32> to vector<32x1024xf32>
    %swap3A_119 = arith.constant 3 : index
    %swap3A_120 = arith.constant 0 : index
    %swap3A_121 = arith.constant 2048 : index
    %swap3A_122 = vector.load %arg2[%swap3A_119, %swap3A_120, %swap3A_121] : memref<8x32x4096xf32, #tpu.memory_space<vmem>>, vector<1x32x1024xf32>
    %swap3A_123 = vector.shape_cast %swap3A_122 : vector<1x32x1024xf32> to vector<32x1024xf32>
    %swap3A_124 = vector.shape_cast %slice3A_118 : vector<32x1024xf32> to vector<1x32x1024xf32>
    tpu.vector_store %arg2[%swap3A_119, %swap3A_120, %swap3A_121], %swap3A_124 {strides = array<i32>} : memref<8x32x4096xf32, #tpu.memory_space<vmem>>, vector<1x32x1024xf32>,
    %slice3A_125 = vector.extract_strided_slice %transpose3A_103 {offsets = [96, 0], sizes = [32, 1024], strides = [1, 1]} : vector<128x1024xf32> to vector<32x1024xf32>
    %swap3A_126 = arith.constant 3 : index
    %swap3A_127 = arith.constant 0 : index
    %swap3A_128 = arith.constant 3072 : index
    %swap3A_129 = vector.load %arg2[%swap3A_126, %swap3A_127, %swap3A_128] : memref<8x32x4096xf32, #tpu.memory_space<vmem>>, vector<1x32x1024xf32>
    %swap3A_130 = vector.shape_cast %swap3A_129 : vector<1x32x1024xf32> to vector<32x1024xf32>
    %swap3A_131 = vector.shape_cast %slice3A_125 : vector<32x1024xf32> to vector<1x32x1024xf32>
    tpu.vector_store %arg2[%swap3A_126, %swap3A_127, %swap3A_128], %swap3A_131 {strides = array<i32>} : memref<8x32x4096xf32, #tpu.memory_space<vmem>>, vector<1x32x1024xf32>,
    %get3A_132 = arith.constant 4 : index
    %get3A_133 = arith.constant 0 : index
    %get3A_134 = arith.constant 0 : index
    %get3A_135 = vector.load %arg1[%get3A_132, %get3A_133, %get3A_134] : memref<8x1024x128xf32, #tpu.memory_space<vmem>>, vector<1x1024x128xf32>
    %get3A_136 = vector.shape_cast %get3A_135 : vector<1x1024x128xf32> to vector<1024x128xf32>
    %transpose3A_137 = tpu.transpose %get3A_136, [1, 0] : vector<1024x128xf32> -> vector<128x1024xf32>
    %slice3A_138 = vector.extract_strided_slice %transpose3A_137 {offsets = [0, 0], sizes = [32, 1024], strides = [1, 1]} : vector<128x1024xf32> to vector<32x1024xf32>
    %swap3A_139 = arith.constant 4 : index
    %swap3A_140 = arith.constant 0 : index
    %swap3A_141 = arith.constant 0 : index
    %swap3A_142 = vector.load %arg2[%swap3A_139, %swap3A_140, %swap3A_141] : memref<8x32x4096xf32, #tpu.memory_space<vmem>>, vector<1x32x1024xf32>
    %swap3A_143 = vector.shape_cast %swap3A_142 : vector<1x32x1024xf32> to vector<32x1024xf32>
    %swap3A_144 = vector.shape_cast %slice3A_138 : vector<32x1024xf32> to vector<1x32x1024xf32>
    tpu.vector_store %arg2[%swap3A_139, %swap3A_140, %swap3A_141], %swap3A_144 {strides = array<i32>} : memref<8x32x4096xf32, #tpu.memory_space<vmem>>, vector<1x32x1024xf32>,
    %slice3A_145 = vector.extract_strided_slice %transpose3A_137 {offsets = [32, 0], sizes = [32, 1024], strides = [1, 1]} : vector<128x1024xf32> to vector<32x1024xf32>
    %swap3A_146 = arith.constant 4 : index
    %swap3A_147 = arith.constant 0 : index
    %swap3A_148 = arith.constant 1024 : index
    %swap3A_149 = vector.load %arg2[%swap3A_146, %swap3A_147, %swap3A_148] : memref<8x32x4096xf32, #tpu.memory_space<vmem>>, vector<1x32x1024xf32>
    %swap3A_150 = vector.shape_cast %swap3A_149 : vector<1x32x1024xf32> to vector<32x1024xf32>
    %swap3A_151 = vector.shape_cast %slice3A_145 : vector<32x1024xf32> to vector<1x32x1024xf32>
    tpu.vector_store %arg2[%swap3A_146, %swap3A_147, %swap3A_148], %swap3A_151 {strides = array<i32>} : memref<8x32x4096xf32, #tpu.memory_space<vmem>>, vector<1x32x1024xf32>,
    %slice3A_152 = vector.extract_strided_slice %transpose3A_137 {offsets = [64, 0], sizes = [32, 1024], strides = [1, 1]} : vector<128x1024xf32> to vector<32x1024xf32>
    %swap3A_153 = arith.constant 4 : index
    %swap3A_154 = arith.constant 0 : index
    %swap3A_155 = arith.constant 2048 : index
    %swap3A_156 = vector.load %arg2[%swap3A_153, %swap3A_154, %swap3A_155] : memref<8x32x4096xf32, #tpu.memory_space<vmem>>, vector<1x32x1024xf32>
    %swap3A_157 = vector.shape_cast %swap3A_156 : vector<1x32x1024xf32> to vector<32x1024xf32>
    %swap3A_158 = vector.shape_cast %slice3A_152 : vector<32x1024xf32> to vector<1x32x1024xf32>
    tpu.vector_store %arg2[%swap3A_153, %swap3A_154, %swap3A_155], %swap3A_158 {strides = array<i32>} : memref<8x32x4096xf32, #tpu.memory_space<vmem>>, vector<1x32x1024xf32>,
    %slice3A_159 = vector.extract_strided_slice %transpose3A_137 {offsets = [96, 0], sizes = [32, 1024], strides = [1, 1]} : vector<128x1024xf32> to vector<32x1024xf32>
    %swap3A_160 = arith.constant 4 : index
    %swap3A_161 = arith.constant 0 : index
    %swap3A_162 = arith.constant 3072 : index
    %swap3A_163 = vector.load %arg2[%swap3A_160, %swap3A_161, %swap3A_162] : memref<8x32x4096xf32, #tpu.memory_space<vmem>>, vector<1x32x1024xf32>
    %swap3A_164 = vector.shape_cast %swap3A_163 : vector<1x32x1024xf32> to vector<32x1024xf32>
    %swap3A_165 = vector.shape_cast %slice3A_159 : vector<32x1024xf32> to vector<1x32x1024xf32>
    tpu.vector_store %arg2[%swap3A_160, %swap3A_161, %swap3A_162], %swap3A_165 {strides = array<i32>} : memref<8x32x4096xf32, #tpu.memory_space<vmem>>, vector<1x32x1024xf32>,
    %get3A_166 = arith.constant 5 : index
    %get3A_167 = arith.constant 0 : index
    %get3A_168 = arith.constant 0 : index
    %get3A_169 = vector.load %arg1[%get3A_166, %get3A_167, %get3A_168] : memref<8x1024x128xf32, #tpu.memory_space<vmem>>, vector<1x1024x128xf32>
    %get3A_170 = vector.shape_cast %get3A_169 : vector<1x1024x128xf32> to vector<1024x128xf32>
    %transpose3A_171 = tpu.transpose %get3A_170, [1, 0] : vector<1024x128xf32> -> vector<128x1024xf32>
    %slice3A_172 = vector.extract_strided_slice %transpose3A_171 {offsets = [0, 0], sizes = [32, 1024], strides = [1, 1]} : vector<128x1024xf32> to vector<32x1024xf32>
    %swap3A_173 = arith.constant 5 : index
    %swap3A_174 = arith.constant 0 : index
    %swap3A_175 = arith.constant 0 : index
    %swap3A_176 = vector.load %arg2[%swap3A_173, %swap3A_174, %swap3A_175] : memref<8x32x4096xf32, #tpu.memory_space<vmem>>, vector<1x32x1024xf32>
    %swap3A_177 = vector.shape_cast %swap3A_176 : vector<1x32x1024xf32> to vector<32x1024xf32>
    %swap3A_178 = vector.shape_cast %slice3A_172 : vector<32x1024xf32> to vector<1x32x1024xf32>
    tpu.vector_store %arg2[%swap3A_173, %swap3A_174, %swap3A_175], %swap3A_178 {strides = array<i32>} : memref<8x32x4096xf32, #tpu.memory_space<vmem>>, vector<1x32x1024xf32>,
    %slice3A_179 = vector.extract_strided_slice %transpose3A_171 {offsets = [32, 0], sizes = [32, 1024], strides = [1, 1]} : vector<128x1024xf32> to vector<32x1024xf32>
    %swap3A_180 = arith.constant 5 : index
    %swap3A_181 = arith.constant 0 : index
    %swap3A_182 = arith.constant 1024 : index
    %swap3A_183 = vector.load %arg2[%swap3A_180, %swap3A_181, %swap3A_182] : memref<8x32x4096xf32, #tpu.memory_space<vmem>>, vector<1x32x1024xf32>
    %swap3A_184 = vector.shape_cast %swap3A_183 : vector<1x32x1024xf32> to vector<32x1024xf32>
    %swap3A_185 = vector.shape_cast %slice3A_179 : vector<32x1024xf32> to vector<1x32x1024xf32>
    tpu.vector_store %arg2[%swap3A_180, %swap3A_181, %swap3A_182], %swap3A_185 {strides = array<i32>} : memref<8x32x4096xf32, #tpu.memory_space<vmem>>, vector<1x32x1024xf32>,
    %slice3A_186 = vector.extract_strided_slice %transpose3A_171 {offsets = [64, 0], sizes = [32, 1024], strides = [1, 1]} : vector<128x1024xf32> to vector<32x1024xf32>
    %swap3A_187 = arith.constant 5 : index
    %swap3A_188 = arith.constant 0 : index
    %swap3A_189 = arith.constant 2048 : index
    %swap3A_190 = vector.load %arg2[%swap3A_187, %swap3A_188, %swap3A_189] : memref<8x32x4096xf32, #tpu.memory_space<vmem>>, vector<1x32x1024xf32>
    %swap3A_191 = vector.shape_cast %swap3A_190 : vector<1x32x1024xf32> to vector<32x1024xf32>
    %swap3A_192 = vector.shape_cast %slice3A_186 : vector<32x1024xf32> to vector<1x32x1024xf32>
    tpu.vector_store %arg2[%swap3A_187, %swap3A_188, %swap3A_189], %swap3A_192 {strides = array<i32>} : memref<8x32x4096xf32, #tpu.memory_space<vmem>>, vector<1x32x1024xf32>,
    %slice3A_193 = vector.extract_strided_slice %transpose3A_171 {offsets = [96, 0], sizes = [32, 1024], strides = [1, 1]} : vector<128x1024xf32> to vector<32x1024xf32>
    %swap3A_194 = arith.constant 5 : index
    %swap3A_195 = arith.constant 0 : index
    %swap3A_196 = arith.constant 3072 : index
    %swap3A_197 = vector.load %arg2[%swap3A_194, %swap3A_195, %swap3A_196] : memref<8x32x4096xf32, #tpu.memory_space<vmem>>, vector<1x32x1024xf32>
    %swap3A_198 = vector.shape_cast %swap3A_197 : vector<1x32x1024xf32> to vector<32x1024xf32>
    %swap3A_199 = vector.shape_cast %slice3A_193 : vector<32x1024xf32> to vector<1x32x1024xf32>
    tpu.vector_store %arg2[%swap3A_194, %swap3A_195, %swap3A_196], %swap3A_199 {strides = array<i32>} : memref<8x32x4096xf32, #tpu.memory_space<vmem>>, vector<1x32x1024xf32>,
    %get3A_200 = arith.constant 6 : index
    %get3A_201 = arith.constant 0 : index
    %get3A_202 = arith.constant 0 : index
    %get3A_203 = vector.load %arg1[%get3A_200, %get3A_201, %get3A_202] : memref<8x1024x128xf32, #tpu.memory_space<vmem>>, vector<1x1024x128xf32>
    %get3A_204 = vector.shape_cast %get3A_203 : vector<1x1024x128xf32> to vector<1024x128xf32>
    %transpose3A_205 = tpu.transpose %get3A_204, [1, 0] : vector<1024x128xf32> -> vector<128x1024xf32>
    %slice3A_206 = vector.extract_strided_slice %transpose3A_205 {offsets = [0, 0], sizes = [32, 1024], strides = [1, 1]} : vector<128x1024xf32> to vector<32x1024xf32>
    %swap3A_207 = arith.constant 6 : index
    %swap3A_208 = arith.constant 0 : index
    %swap3A_209 = arith.constant 0 : index
    %swap3A_210 = vector.load %arg2[%swap3A_207, %swap3A_208, %swap3A_209] : memref<8x32x4096xf32, #tpu.memory_space<vmem>>, vector<1x32x1024xf32>
    %swap3A_211 = vector.shape_cast %swap3A_210 : vector<1x32x1024xf32> to vector<32x1024xf32>
    %swap3A_212 = vector.shape_cast %slice3A_206 : vector<32x1024xf32> to vector<1x32x1024xf32>
    tpu.vector_store %arg2[%swap3A_207, %swap3A_208, %swap3A_209], %swap3A_212 {strides = array<i32>} : memref<8x32x4096xf32, #tpu.memory_space<vmem>>, vector<1x32x1024xf32>,
    %slice3A_213 = vector.extract_strided_slice %transpose3A_205 {offsets = [32, 0], sizes = [32, 1024], strides = [1, 1]} : vector<128x1024xf32> to vector<32x1024xf32>
    %swap3A_214 = arith.constant 6 : index
    %swap3A_215 = arith.constant 0 : index
    %swap3A_216 = arith.constant 1024 : index
    %swap3A_217 = vector.load %arg2[%swap3A_214, %swap3A_215, %swap3A_216] : memref<8x32x4096xf32, #tpu.memory_space<vmem>>, vector<1x32x1024xf32>
    %swap3A_218 = vector.shape_cast %swap3A_217 : vector<1x32x1024xf32> to vector<32x1024xf32>
    %swap3A_219 = vector.shape_cast %slice3A_213 : vector<32x1024xf32> to vector<1x32x1024xf32>
    tpu.vector_store %arg2[%swap3A_214, %swap3A_215, %swap3A_216], %swap3A_219 {strides = array<i32>} : memref<8x32x4096xf32, #tpu.memory_space<vmem>>, vector<1x32x1024xf32>,
    %slice3A_220 = vector.extract_strided_slice %transpose3A_205 {offsets = [64, 0], sizes = [32, 1024], strides = [1, 1]} : vector<128x1024xf32> to vector<32x1024xf32>
    %swap3A_221 = arith.constant 6 : index
    %swap3A_222 = arith.constant 0 : index
    %swap3A_223 = arith.constant 2048 : index
    %swap3A_224 = vector.load %arg2[%swap3A_221, %swap3A_222, %swap3A_223] : memref<8x32x4096xf32, #tpu.memory_space<vmem>>, vector<1x32x1024xf32>
    %swap3A_225 = vector.shape_cast %swap3A_224 : vector<1x32x1024xf32> to vector<32x1024xf32>
    %swap3A_226 = vector.shape_cast %slice3A_220 : vector<32x1024xf32> to vector<1x32x1024xf32>
    tpu.vector_store %arg2[%swap3A_221, %swap3A_222, %swap3A_223], %swap3A_226 {strides = array<i32>} : memref<8x32x4096xf32, #tpu.memory_space<vmem>>, vector<1x32x1024xf32>,
    %slice3A_227 = vector.extract_strided_slice %transpose3A_205 {offsets = [96, 0], sizes = [32, 1024], strides = [1, 1]} : vector<128x1024xf32> to vector<32x1024xf32>
    %swap3A_228 = arith.constant 6 : index
    %swap3A_229 = arith.constant 0 : index
    %swap3A_230 = arith.constant 3072 : index
    %swap3A_231 = vector.load %arg2[%swap3A_228, %swap3A_229, %swap3A_230] : memref<8x32x4096xf32, #tpu.memory_space<vmem>>, vector<1x32x1024xf32>
    %swap3A_232 = vector.shape_cast %swap3A_231 : vector<1x32x1024xf32> to vector<32x1024xf32>
    %swap3A_233 = vector.shape_cast %slice3A_227 : vector<32x1024xf32> to vector<1x32x1024xf32>
    tpu.vector_store %arg2[%swap3A_228, %swap3A_229, %swap3A_230], %swap3A_233 {strides = array<i32>} : memref<8x32x4096xf32, #tpu.memory_space<vmem>>, vector<1x32x1024xf32>,
    %get3A_234 = arith.constant 7 : index
    %get3A_235 = arith.constant 0 : index
    %get3A_236 = arith.constant 0 : index
    %get3A_237 = vector.load %arg1[%get3A_234, %get3A_235, %get3A_236] : memref<8x1024x128xf32, #tpu.memory_space<vmem>>, vector<1x1024x128xf32>
    %get3A_238 = vector.shape_cast %get3A_237 : vector<1x1024x128xf32> to vector<1024x128xf32>
    %transpose3A_239 = tpu.transpose %get3A_238, [1, 0] : vector<1024x128xf32> -> vector<128x1024xf32>
    %slice3A_240 = vector.extract_strided_slice %transpose3A_239 {offsets = [0, 0], sizes = [32, 1024], strides = [1, 1]} : vector<128x1024xf32> to vector<32x1024xf32>
    %swap3A_241 = arith.constant 7 : index
    %swap3A_242 = arith.constant 0 : index
    %swap3A_243 = arith.constant 0 : index
    %swap3A_244 = vector.load %arg2[%swap3A_241, %swap3A_242, %swap3A_243] : memref<8x32x4096xf32, #tpu.memory_space<vmem>>, vector<1x32x1024xf32>
    %swap3A_245 = vector.shape_cast %swap3A_244 : vector<1x32x1024xf32> to vector<32x1024xf32>
    %swap3A_246 = vector.shape_cast %slice3A_240 : vector<32x1024xf32> to vector<1x32x1024xf32>
    tpu.vector_store %arg2[%swap3A_241, %swap3A_242, %swap3A_243], %swap3A_246 {strides = array<i32>} : memref<8x32x4096xf32, #tpu.memory_space<vmem>>, vector<1x32x1024xf32>,
    %slice3A_247 = vector.extract_strided_slice %transpose3A_239 {offsets = [32, 0], sizes = [32, 1024], strides = [1, 1]} : vector<128x1024xf32> to vector<32x1024xf32>
    %swap3A_248 = arith.constant 7 : index
    %swap3A_249 = arith.constant 0 : index
    %swap3A_250 = arith.constant 1024 : index
    %swap3A_251 = vector.load %arg2[%swap3A_248, %swap3A_249, %swap3A_250] : memref<8x32x4096xf32, #tpu.memory_space<vmem>>, vector<1x32x1024xf32>
    %swap3A_252 = vector.shape_cast %swap3A_251 : vector<1x32x1024xf32> to vector<32x1024xf32>
    %swap3A_253 = vector.shape_cast %slice3A_247 : vector<32x1024xf32> to vector<1x32x1024xf32>
    tpu.vector_store %arg2[%swap3A_248, %swap3A_249, %swap3A_250], %swap3A_253 {strides = array<i32>} : memref<8x32x4096xf32, #tpu.memory_space<vmem>>, vector<1x32x1024xf32>,
    %slice3A_254 = vector.extract_strided_slice %transpose3A_239 {offsets = [64, 0], sizes = [32, 1024], strides = [1, 1]} : vector<128x1024xf32> to vector<32x1024xf32>
    %swap3A_255 = arith.constant 7 : index
    %swap3A_256 = arith.constant 0 : index
    %swap3A_257 = arith.constant 2048 : index
    %swap3A_258 = vector.load %arg2[%swap3A_255, %swap3A_256, %swap3A_257] : memref<8x32x4096xf32, #tpu.memory_space<vmem>>, vector<1x32x1024xf32>
    %swap3A_259 = vector.shape_cast %swap3A_258 : vector<1x32x1024xf32> to vector<32x1024xf32>
    %swap3A_260 = vector.shape_cast %slice3A_254 : vector<32x1024xf32> to vector<1x32x1024xf32>
    tpu.vector_store %arg2[%swap3A_255, %swap3A_256, %swap3A_257], %swap3A_260 {strides = array<i32>} : memref<8x32x4096xf32, #tpu.memory_space<vmem>>, vector<1x32x1024xf32>,
    %slice3A_261 = vector.extract_strided_slice %transpose3A_239 {offsets = [96, 0], sizes = [32, 1024], strides = [1, 1]} : vector<128x1024xf32> to vector<32x1024xf32>
    %swap3A_262 = arith.constant 7 : index
    %swap3A_263 = arith.constant 0 : index
    %swap3A_264 = arith.constant 3072 : index
    %swap3A_265 = vector.load %arg2[%swap3A_262, %swap3A_263, %swap3A_264] : memref<8x32x4096xf32, #tpu.memory_space<vmem>>, vector<1x32x1024xf32>
    %swap3A_266 = vector.shape_cast %swap3A_265 : vector<1x32x1024xf32> to vector<32x1024xf32>
    %swap3A_267 = vector.shape_cast %slice3A_261 : vector<32x1024xf32> to vector<1x32x1024xf32>
    tpu.vector_store %arg2[%swap3A_262, %swap3A_263, %swap3A_264], %swap3A_267 {strides = array<i32>} : memref<8x32x4096xf32, #tpu.memory_space<vmem>>, vector<1x32x1024xf32>,
    return
  }
  func.func @transform_0(%arg0: i32) -> (i32, i32, i32) {
    %c0_i32 = arith.constant 0 : i32
    %c0_i32_0 = arith.constant 0 : i32
    %c0_i32_1 = arith.constant 0 : i32
    return %arg0, %c0_i32, %c0_i32_0 : i32, i32, i32
  }
  func.func @transform_1(%arg0: i32) -> (i32, i32, i32) {
    %c0_i32 = arith.constant 0 : i32
    %c0_i32_0 = arith.constant 0 : i32
    %c0_i32_1 = arith.constant 0 : i32
    return %arg0, %c0_i32, %c0_i32_0 : i32, i32, i32
  }
}

</mosaic_0001>

<sc_bundles>
// kernel: kernel.5.cloned.1.call-start
scs
__scs_entry_jumppad:
0x0: {  	(pc) =	sbr.rel $0x88, $3  }
0x1: {  	(tag) =	ssettag $0x0;
	lr =	simm.s32 $0x1  }
0x2: {  	[smem:$0x3F9C] =	sst lr;
	_ =	strace $0xD0000000  }
0x3: {  	_ = 	snop  }
0x4: {  	_ = 	snop  }
0x5: {  	_ = 	snop  }
0x6: {  	_ = 	snop  }
0x7: {  	_ = 	snop  }
__scs_overlays_trampoline_lowered:
0x8: {  	[smem:$0x3FAB] =	sst s0  }
0x9: {  	[smem:$0x3FAC] =	sst s1  }
0xa: {  	[smem:$0x3FAD] =	sst s2  }
0xb: {  	[smem:$0x3FAE] =	sst s3  }
0xc: {  	[smem:$0x3FAF] =	sst s4  }
0xd: {  	[smem:$0x3FB0] =	sst s5  }
0xe: {  	[smem:$0x3FB1] =	sst s6  }
0xf: {  	[smem:$0x3FB2] =	sst s7  }
0x10: {  	[smem:$0x3FB3] =	sst s8  }
0x11: {  	[smem:$0x3FB4] =	sst s9;
	s0 =	simm.s32 @!p0 $0x0  }
0x12: {  	s1 =	sld [smem:$0x3F9A];
	s0 =	simm.s32 @p0 $0x1  }
0x13: {  	[smem:$0x3FB5] =	sst s0;
	s0 =	simm.s32 @!p1 $0x0  }
0x14: {  	s2 =	sld [smem:$0x3F99];
	s0 =	simm.s32 @p1 $0x1  }
0x15: {  	[smem:$0x3FB6] =	sst s0;
	s0 =	simm.s32 @!p2 $0x0  }
0x16: {  	s3 =	sld [smem:$0x3FDB];
	s0 =	simm.s32 @p2 $0x1  }
0x17: {  	s4 =	simm.s32 $0x1BF5;
	[smem:$0x3FB8] =	sst s0  }
0x18: {  	s0 =	sld [smem:$0x3F9B];
	_ =	swait.ge [sflag:s4], $0x0  }
0x19: {  	s7 =	sld [smem:$0x3F9C]  }
0x1a: {  	s8 =	sadd.s32 $0xFFFFE003, lr  }
0x1b: {  	s9 =	sadd.s32 $0xFFFFFEF7, lr;
	s5 =	simm.s32 $0xFFFFFFFF;
	p2 =	slt.u32 s8, $0xFFFFF086  }
0x1c: {  	p1 =	slt.u32 s9, $0xF7A;
	s5 =	simm.s32 @!p2 $0x0  }
0x1d: {  	s5 =	simm.s32 @p1 $0x1;
	p0 =	seq.s32 s7, s2  }
0x1e: {  	s7 =	smul.u32 @!p0 $0xF7A, s2;
	p2 =	seq.s32 @!p0 s5, $0x0  }
0x1f: {  	s9 =	smul.u32 $0xF7A, s1;
	s8 =	simm.s32 @!p0 $0x1BF5;
	p2 =	por !p2, p0  }
0x20: {  	[sflag:s8] =	ssyncset.s32 @!p0 $0xFFFFF086;
	s6 =	sadd.s32 @!p0 s3, s7;
	s7 =	simm.s32 @!p0 $0x108  }
0x21: {  	s3 =	sadd.s32 s3, s9;
	s6 =	sadd.s32 @!p0 $0x88, s6;
	s7 =	simm.s32 @p2 $0x1082  }
0x22: {  	[simem:s7], [sflag:s8] =	dma.local @!p0 [hbm:s6], $0xF7A  }
0x23: {  	s9 =	sor.u32 $0xD0000000, s2;
	s6 =	simm.s32 $0x108;
	_ =	swait.ge @!p0 [sflag:s8], $0x0  }
0x24: {  	s3 =	sadd.s32 $0x88, s3;
	s6 =	simm.s32 @!p1 $0x1082;
	[sflag:s4] =	ssyncset.s32 $0xFFFFF086  }
0x25: {  	[simem:s6], [sflag:s4] =	dma.local [hbm:s3], $0xF7A  }
0x26: {  	[smem:$0x3F9C] =	sst s1;
	(tag) =	ssettag s2;
	_ =	strace s9  }
0x27: {  	s1 =	sld [smem:$0x3FAC]  }
0x28: {  	s2 =	sld [smem:$0x3FAD]  }
0x29: {  	s4 =	sld [smem:$0x3FAF]  }
0x2a: {  	p0 =	seq.s32 s5, $0x0;
	s5 =	sld [smem:$0x3FB0]  }
0x2b: {  	s6 =	sld [smem:$0x3FB1]  }
0x2c: {  	s7 =	sld [smem:$0x3FB2]  }
0x2d: {  	s3 =	simm.s32 $0x108;
	s8 =	sld [smem:$0x3FB3]  }
0x2e: {  	s3 =	simm.s32 @!p0 $0x1082;
	s9 =	sld [smem:$0x3FB4]  }
0x2f: {  	lr =	sadd.s32 s0, s3;
	s0 =	sld [smem:$0x3FAB]  }
0x30: {  	s3 =	sld [smem:$0x3FAE]  }
0x31: {  	[smem:$0x3FB7] =	sst s10  }
0x32: {  	s10 =	sld [smem:$0x3FB5];
	_ =	sdelay $0x3  }
0x33: {  	p0 =	seq.s32 s10, $0x1;
	s10 =	sld [smem:$0x3FB7];
	_ =	sdelay $0x3  }
0x34: {  	[smem:$0x3FB7] =	sst s10  }
0x35: {  	s10 =	sld [smem:$0x3FB6];
	_ =	sdelay $0x3  }
0x36: {  	p1 =	seq.s32 s10, $0x1;
	s10 =	sld [smem:$0x3FB7];
	_ =	sdelay $0x3  }
0x37: {  	[smem:$0x3FB7] =	sst s10  }
0x38: {  	s10 =	sld [smem:$0x3FB8]  }
0x39: {  	_ = 	snop;
	(pc) =	sbr.ind lr, $3  }
0x3a: {  	_ = 	snop  }
0x3b: {  	_ = 	snop  }
0x3c: {  	p2 =	seq.s32 s10, $0x1;
	s10 =	sld [smem:$0x3FB7]  }
0x3d: {  	_ =	shalt  }
0x3e: {  	_ =	shalt  }
0x3f: {  	_ =	shalt  }
0x40: {  	_ =	shalt  }
0x41: {  	_ =	shalt  }
0x42: {  	_ =	shalt  }
0x43: {  	_ =	shalt  }
0x44: {  	_ =	shalt  }
0x45: {  	_ =	shalt  }
0x46: {  	_ =	shalt  }
0x47: {  	_ =	shalt  }
0x48: {  	_ =	shalt  }
0x49: {  	_ =	shalt  }
0x4a: {  	_ =	shalt  }
0x4b: {  	_ =	shalt  }
0x4c: {  	_ =	shalt  }
0x4d: {  	_ =	shalt  }
0x4e: {  	_ =	shalt  }
0x4f: {  	_ =	shalt  }
0x50: {  	_ =	shalt  }
0x51: {  	_ =	shalt  }
0x52: {  	_ =	shalt  }
0x53: {  	_ =	shalt  }
0x54: {  	_ =	shalt  }
0x55: {  	_ =	shalt  }
0x56: {  	_ =	shalt  }
0x57: {  	_ =	shalt  }
0x58: {  	_ =	shalt  }
0x59: {  	_ =	shalt  }
0x5a: {  	_ =	shalt  }
0x5b: {  	_ =	shalt  }
0x5c: {  	_ =	shalt  }
0x5d: {  	_ =	shalt  }
0x5e: {  	_ =	shalt  }
0x5f: {  	_ =	shalt  }
0x60: {  	_ =	shalt  }
0x61: {  	_ =	shalt  }
0x62: {  	_ =	shalt  }
0x63: {  	_ =	shalt  }
0x64: {  	_ =	shalt  }
0x65: {  	_ =	shalt  }
0x66: {  	_ =	shalt  }
0x67: {  	_ =	shalt  }
0x68: {  	_ =	shalt  }
0x69: {  	_ =	shalt  }
0x6a: {  	_ =	shalt  }
0x6b: {  	_ =	shalt  }
0x6c: {  	_ =	shalt  }
0x6d: {  	_ =	shalt  }
0x6e: {  	_ =	shalt  }
0x6f: {  	_ =	shalt  }
0x70: {  	_ =	shalt  }
0x71: {  	_ =	shalt  }
0x72: {  	_ =	shalt  }
0x73: {  	_ =	shalt  }
0x74: {  	_ =	shalt  }
0x75: {  	_ =	shalt  }
0x76: {  	_ =	shalt  }
0x77: {  	_ =	shalt  }
0x78: {  	_ =	shalt  }
0x79: {  	_ =	shalt  }
0x7a: {  	_ =	shalt  }
0x7b: {  	_ =	shalt  }
0x7c: {  	_ =	shalt  }
0x7d: {  	_ =	shalt  }
0x7e: {  	_ =	shalt  }
0x7f: {  	_ =	shalt  }
0x80: {  	_ =	shalt  }
0x81: {  	_ =	shalt  }
0x82: {  	_ =	shalt  }
0x83: {  	_ =	shalt  }
0x84: {  	_ =	shalt  }
0x85: {  	_ =	shalt  }
0x86: {  	_ =	shalt  }
0x87: {  	_ =	shalt  }
.Lfunc_end0:
.L_simem_size_0:
called_computation_lowered:
.L_overlay_start_0:
0x88: {  	s2 =	sld [smem:$0x3FD9]  }
0x89: {  	s3 =	sld [smem:$0x3FFE];
	_ =	sdelay $0x1  }
0x8a: {  	s1 =	srdreg.scid  }
0x8b: {  	s0 =	sand.u32 $0x1, s1  }
0x8c: {  	s17 =	sshll.u32 s0, $0xA;
	s2 =	sadd.s32 s3, s2  }
0x8d: {  	s2 =	sadd.s32 s2, s17  }
0x8e: {  	[smem:$0x3FC3] =	sst s2  }
0x8f: {  	_ = 	snop  }
0x90: {  	s2 =	sld [smem:$0x3FD0];
	(tm) =	ssettm $0x1  }
0x91: {  	s18 =	sld [smem:$0x3FFB];
	_ =	sdelay $0x3  }
0x92: {  	_ =	strace s18  }
0x93: {  	s3 =	sld [smem:$0x3FFC];
	_ =	sdelay $0x3  }
0x94: {  	_ =	strace s3  }
0x95: {  	s3 =	sld [smem:$0x3FFD];
	_ =	sdelay $0x3  }
0x96: {  	_ =	strace s3  }
0x97: {  	_ =	strace $0x8FFFFFFF  }
0x98: {  	s19 =	sld [smem:$0x3FDB];
	_ =	sdelay $0x1  }
0x99: {  	s4 =	simm.s32 $_scs_section_size  }
0x9a: {  	s5 =	simm.s32 $_size__tile_overlayer_lowered;
	s6 =	simm.s32 $_tile_overlayer_lowered  }
0x9b: {  	s22 =	simm.s32 $0x1BFF;
	s21 =	sshll.u32 s6, $0x1;
	s3 =	sadd.s32 s4, s19  }
0x9c: {  	s7 =	simm.s32 $0x0;
	s20 =	sshll.u32 s5, $0x1;
	s5 =	sadd.s32 s21, s3  }
0x9d: {  	[timem:s7], [sflag:s22] =	dma.local [hbm:s5], s20  }
0x9e: {  	_ =	swait.ge [sflag:s22], s20  }
0x9f: {  	s4 =	ssub.s32 $0x0, s20;
	[sflag:s22] =	ssyncset.done $0x0  }
0xa0: {  	[sflag:s22] =	ssyncadd.s32 s4;
	_ =	sdelay $0x1  }
0xa1: {  	s23 =	simm.s32 $0x1B8B  }
0xa2: {  	_ =	swait.ge [sflag:s23], $0x1  }
0xa3: {  	[sflag:s23] =	ssyncset.done $0x0  }
0xa4: {  	s25 =	simm.s32 $0x1B8E;
	s24 =	sld [smem:$0x3FFE];
	[sflag:s23] =	ssyncadd.s32 $0xFFFFFFFF  }
0xa5: {  	s26 =	simm.s32 $execute0_lowered;
	[smem:$0x3FD2] =	sst s25  }
0xa6: {  	s5 =	sshll.u32 s26, $0x1;
	_ =	strace $0x80000046;
	[dreg:$0x1] =	wrdreg $0xFFFFFFFF  }
0xa7: {  	s28 =	simm.s32 $_size_execute0_lowered;
	s3 =	sadd.s32 s3, s5;
	[dreg:$0x0] =	wrdreg $0x0  }
0xa8: {  	s5 =	sshll.u32 s28, $0x1;
	[dreg:$0x2] =	wrdreg s3  }
0xa9: {  	[dreg:$0x3] =	wrdreg s5  }
0xaa: {  	[dreg:$0x4] =	wrdreg $0xC0  }
0xab: {  	_ =	task [dreg:s7], $0x5FFFF  }
0xac: {  	[dreg:$0x1] =	wrdreg $0xFFFFFFFF  }
0xad: {  	[dreg:$0x0] =	wrdreg $0x60  }
0xae: {  	[dreg:$0x2] =	wrdreg s24  }
0xaf: {  	[dreg:$0x3] =	wrdreg s2  }
0xb0: {  	[dreg:$0x4] =	wrdreg $0x9  }
0xb1: {  	_ =	task.clear_ibuf [dreg:s7], $0x5FFFF;
	_ =	strace $0x90000046  }
0xb2: {  	s29 =	simm.s32 $0x9;
	_ =	strace $0x80000048  }
0xb3: {  	_ =	swait.ge [sflag:s29], $0x1  }
0xb4: {  	[sflag:s29] =	ssyncadd.s32 $0xFFFFFFFF  }
0xb5: {  	_ =	strace $0x90000048  }
0xb6: {  	_ =	sfence  }
0xb7: {  	s30 =	sld [smem:$0x0];
	_ =	sdelay $0x2  }
0xb8: {  	s31 =	sshll.u32 s1, $0xD;
	s1 =	sshrl.u32 s1, $0x2  }
0xb9: {  	s3 =	sand.u32 $0x4000, s31;
	s1 =	sadd.s32 s1, s30  }
0xba: {  	s0 =	sor.u32 s3, s0;
	s1 =	sshll.u32 s1, $0x11  }
0xbb: {  	s0 =	sor.u32 s1, s0  }
0xbc: {  	s0 =	sadd.s32 $0x8F2B, s0  }
0xbd: {  	[sflag:s0] =	ssyncadd.remote.s32 $0x1  }
0xbe: {  	_ =	sfence.sel $0xFFFF  }
0xbf: {  	[dreg:$0x0] =	wrdreg $0xFFFFFFFF;
	(pc) =	sbr.abs _section_cstart, $3  }
0xc0: {  	[dreg:$0x1] =	wrdreg $0xFFFFFFFF  }
0xc1: {  	_ =	task.clear_ibuf [dreg:s7], $0x2FFFF;
	_ =	strace $0x9FFFFFFF  }
0xc2: {  	(tm) =	ssettm $0x7FFFFFFF  }
0xc3: {  	_ =	shalt  }
tec
execute0_lowered:
.L_overlay_start_1:
0x0: {  	(tag) =	ssettag $0x1  }
0x1: {  	s0 =	rddreg [dreg:$0x0]  }
0x2: {  	s2 =	rddreg [dreg:$0x1]  }
0x3: {  	s1 =	srdreg.scid;
	s4 =	stileid.u32;
	s3 =	simm.s32 $0x0  }
0x4: {  	s12 =	simm.s32 $0x1;
	s13 =	simm.s32 $0x1800;
	s14 =	simm.s32 $0x2800  }
0x5: {  	s15 =	simm.s32 $0x2;
	s16 =	simm.s32 $0x1400;
	s17 =	simm.s32 $0xC00  }
0x6: {  	s18 =	simm.s32 $0x1000;
	s1 =	sand.u32 $0x1, s1;
	s4 =	sshll.u32 s4, $0x1  }
0x7: {  	[smem:$0x7FF] =	sst s3;
	s5 =	sadd.s32 $0x19800, s0;
	s9 =	sor.u32 s1, s4  }
0x8: {  	s6 =	sadd.s32 $0x800, s0;
	_ =	strace $0x80000047;
	s7 =	smul.u32 $0x6400, s9  }
0x9: {  	s4 =	sadd.s32 $0x32800, s0;
	s1 =	ssub.s32 $0x2, s1;
	s8 =	sshll.u32 s9, $0x8  }
0xa: {  	s19 =	sshrl.u32 s1, $0x1;
	s8 =	sand.u32 $0x300, s8;
	s10 =	sand.u32 $0xFF000, s7  }
0xb: {  	s7 =	sadd.s32 $0x4E2800, s0;
	s0 =	ssub.s32 s1, s19;
	s10 =	sor.u32 s8, s10  }
0xc: {  	v0 =	vimm.s32 $0x303;
	vm0 =	vcmask $0x300;
	s19 =	simm.s32 $0x2000;
	s0 =	smax.u32 s0, $0x1;
	s20 =	sshrl.u32 s10, $0x3  }
0xd: {  	vm14 =	vcmask $0x704;
	v0 =	vsel vm0, $0x0, v0;
	s8 =	smul.u32 $0x19, s9;
	[dreg:$0x10] =	wrdreg s0;
	s10 =	sadd.s32 s2, s20  }
0xe: {  	vm15 =	vcmask $0xB08;
	v0 =	vsel vm14, $0x100, v0;
	s9 =	smul.u32 $0xC8000, s9;
	s21 =	sadd.s32 s5, s20;
	[dreg:$0x3] =	wrdreg s10  }
0xf: {  	vm4 =	vcmask $0xF0C;
	v0 =	vsel vm15, $0x200, v0;
	s22 =	sor.u32 $0x80, s20;
	s11 =	sadd.s32 s6, s20;
	[dreg:$0x4] =	wrdreg s21  }
0x10: {  	vm5 =	vcmask $0x1310;
	v0 =	vsel vm4, $0x300, v0;
	s25 =	sor.u32 $0x100, s20;
	[dreg:$0x5] =	wrdreg s11;
	s23 =	sadd.s32 s2, s22  }
0x11: {  	vm6 =	vcmask $0x1714;
	v0 =	vsel vm5, $0x1, v0;
	s1 =	sor.u32 $0x180, s20;
	s24 =	sadd.s32 s5, s22;
	[dreg:$0x6] =	wrdreg s23  }
0x12: {  	vm7 =	vcmask $0x1B18;
	v0 =	vsel vm6, $0x101, v0;
	s9 =	sshrl.u32 s9, $0x3;
	s10 =	sadd.s32 s6, s22;
	[dreg:$0x7] =	wrdreg s24  }
0x13: {  	vm8 =	vcmask $0x1F1C;
	v0 =	vsel vm7, $0x201, v0;
	s26 =	sadd.s32 s2, s25;
	s28 =	sadd.s32 s5, s25;
	[dreg:$0x8] =	wrdreg s10  }
0x14: {  	vm9 =	vcmask $0x2320;
	v0 =	vsel vm8, $0x301, v0;
	s29 =	sadd.s32 s2, s1;
	s30 =	sadd.s32 s5, s1;
	[dreg:$0x9] =	wrdreg s26  }
0x15: {  	vm10 =	vcmask $0x2724;
	s1 =	sadd.s32 s6, s1;
	s31 =	sadd.s32 s7, s9;
	v0 =	vsel vm9, $0x2, v0;
	[dreg:$0xa] =	wrdreg s28  }
0x16: {  	vm11 =	vcmask $0x2B28;
	vm12 =	vcmask $0x2F2C;
	s21 =	sadd.s32 $0x1FFFF, s8;
	s22 =	sadd.s32 $0x2, s8;
	[dreg:$0xc] =	wrdreg s29;
	v0 =	vsel vm10, $0x102, v0  }
.Ltmp0:
0x17: {  	vm13 =	vcmask $0x3330;
	v1 =	vlaneseq.u32;
	s9 =	simm.s32 $0x300;
	[dreg:$0xd] =	wrdreg s30;
	v0 =	vsel vm11, $0x202, v0;
	(pc) =	sbr.rel .LBB2_1-.Ltmp0, $4  }
0x18: {  	v3 =	vand.u32 $0x3, v1;
	vm14 =	vcmask $0x3734;
	s11 =	simm.s32 $0xB00;
	s10 =	sadd.s32 s6, s25;
	[dreg:$0xe] =	wrdreg s1;
	v0 =	vsel vm12, $0x302, v0  }
0x19: {  	v3 =	vmul.u32 $0x2, v3;
	s1 =	sadd.s32 $0x18000, s31;
	s25 =	simm.s32 $0x400;
	s26 =	simm.s32 $0x800;
	v2 =	vsel vm13, $0x3, v0;
	v0 =	vmul.u32 $0x2, v1  }
0x1a: {  	vm15 =	vcmask $0x3B38;
	s23 =	simm.s32 $0x3;
	s24 =	simm.s32 $0x0;
	[dreg:$0xb] =	wrdreg s10;
	v1 =	vsel vm14, $0x103, v2  }
0x1b: {  	[dreg:$0xf] =	wrdreg s1;
	s1 =	simm.s32 $0xA00;
	s10 =	simm.s32 $0x700;
	v2 =	vor.u32 $0xFFFFFFF8, v3;
	v1 =	vsel vm15, $0x203, v1;
	v3 =	vor.u32 $0x1, v0  }
.LBB2_9:
0x1c: {  	_ =	swait.ge [sflag:s23], $0x8000  }
0x1d: {  	[sflag:s23] =	ssyncset.done $0x0  }
0x1e: {  	s20 =	simm.s32 $0x4;
	s0 =	rddreg [dreg:$0xf];
	[sflag:s23] =	ssyncadd.s32 $0xFFFF8000  }
0x1f: {  	[hbm4b:s0+s3] =	stream.linear.scatter [tilespmem:s14], [sflag:$0x4], $0x8000, $0x38;
	[tilespmem:$0x12800] =	vst v63  }
0x20: {  	_ =	swait.ge [sflag:s20], $0x8000  }
0x21: {  	[sflag:s20] =	ssyncset.done $0x0  }
0x22: {  	[sflag:s20] =	ssyncadd.s32 $0xFFFF8000  }
0x23: {  	_ =	swait.ge [sflag:s20], $0x8000  }
0x24: {  	s24 =	rddreg [dreg:$0x11]  }
0x25: {  	s31 =	rddreg [dreg:$0x10];
	s24 =	sadd.s32 $0x1, s24  }
0x26: {  	p0 =	sne.s32 s24, s31  }
.Ltmp1:
0x27: {  	_ = 	snop;
	(pc) =	sbr.rel @!p0 .LBB2_10-.Ltmp1, $3  }
0x28: {  	_ =	sdelay $0x1  }
0x29: {  	[sflag:s20] =	ssyncset.done $0x0  }
0x2a: {  	[sflag:s20] =	ssyncadd.s32 $0xFFFF8000  }
.LBB2_1:
0x2b: {  	[dreg:$0x11] =	wrdreg s24  }
0x2c: {  	s0 =	rddreg [dreg:$0x3]  }
0x2d: {  	[tilespmem:s3], [sflag:$0x1] =	stream.linear.gather [hbm4b:s0+s3], $0x100, $0x38;
	[tilespmem:$0x12800] =	vst v63  }
0x2e: {  	s29 =	rddreg [dreg:$0x4]  }
0x2f: {  	[tilespmem:s25], [sflag:$0x1] =	stream.linear.gather [hbm4b:s29+s3], $0x100, $0x38;
	[tilespmem:$0x12800] =	vst v63  }
0x30: {  	s30 =	rddreg [dreg:$0x5]  }
0x31: {  	[tilespmem:s26], [sflag:$0x1] =	stream.linear.gather [hbm4b:s30+s3], $0x100, $0x38;
	[tilespmem:$0x12800] =	vst v63  }
0x32: {  	s31 =	rddreg [dreg:$0x6];
	s20 =	simm.s32 $0x100  }
0x33: {  	[tilespmem:s20], [sflag:$0x1] =	stream.linear.gather [hbm4b:s31+s3], $0x100, $0x38;
	[tilespmem:$0x12800] =	vst v63  }
0x34: {  	s24 =	simm.s32 $0x500;
	s20 =	rddreg [dreg:$0x7]  }
0x35: {  	[tilespmem:s24], [sflag:$0x1] =	stream.linear.gather [hbm4b:s20+s3], $0x100, $0x38;
	[tilespmem:$0x12800] =	vst v63  }
0x36: {  	s28 =	rddreg [dreg:$0x8];
	s29 =	simm.s32 $0x900  }
0x37: {  	[tilespmem:s29], [sflag:$0x1] =	stream.linear.gather [hbm4b:s28+s3], $0x100, $0x38;
	[tilespmem:$0x12800] =	vst v63  }
0x38: {  	s30 =	rddreg [dreg:$0x9];
	s31 =	simm.s32 $0x200  }
0x39: {  	[tilespmem:s31], [sflag:$0x1] =	stream.linear.gather [hbm4b:s30+s3], $0x100, $0x38;
	[tilespmem:$0x12800] =	vst v63  }
0x3a: {  	s20 =	rddreg [dreg:$0xa];
	s24 =	simm.s32 $0x600  }
0x3b: {  	[tilespmem:s24], [sflag:$0x1] =	stream.linear.gather [hbm4b:s20+s3], $0x100, $0x38;
	[tilespmem:$0x12800] =	vst v63  }
0x3c: {  	s28 =	rddreg [dreg:$0xb]  }
0x3d: {  	[tilespmem:s1], [sflag:$0x1] =	stream.linear.gather [hbm4b:s28+s3], $0x100, $0x38;
	[tilespmem:$0x12800] =	vst v63  }
0x3e: {  	s29 =	rddreg [dreg:$0xc]  }
0x3f: {  	[tilespmem:s9], [sflag:$0x1] =	stream.linear.gather [hbm4b:s29+s3], $0x100, $0x38;
	[tilespmem:$0x12800] =	vst v63  }
.Ltmp2:
0x40: {  	_ = 	snop;
	(pc) =	sbr.rel .LBB2_2-.Ltmp2, $4  }
0x41: {  	s30 =	rddreg [dreg:$0xd]  }
0x42: {  	[tilespmem:s10], [sflag:$0x1] =	stream.linear.gather [hbm4b:s30+s3], $0x100, $0x38;
	[tilespmem:$0x12800] =	vst v63  }
0x43: {  	s31 =	rddreg [dreg:$0xe];
	s24 =	simm.s32 $0x0  }
0x44: {  	[tilespmem:s11], [sflag:$0x1] =	stream.linear.gather [hbm4b:s31+s3], $0x100, $0x38;
	[tilespmem:$0x12800] =	vst v63  }
.LBB2_8:
0x45: {  	s24 =	sadd.s32 $0x1, s24  }
0x46: {  	p0 =	sne.s32 s24, $0xD  }
.Ltmp3:
0x47: {  	_ = 	snop;
	(pc) =	sbr.rel @!p0 .LBB2_9-.Ltmp3, $1  }
0x48: {  	_ =	sdelay $0x3  }
.LBB2_2:
0x49: {  	s29 =	sshllo.u32 s24, $0x1  }
0x4a: {  	p0 =	sgt.u32 s29, $0x18  }
0x4b: {  	s20 =	sadd.s32 @!p0 s8, s29  }
0x4c: {  	s28 =	sshll.u32 @!p0 s20, $0x7;
	s20 =	sshll.u32 @!p0 s20, $0x5  }
0x4d: {  	s28 =	sand.u32 @!p0 $0xFFFFE00, s28;
	s20 =	sand.u32 @!p0 $0x60, s20  }
0x4e: {  	s20 =	sor.u32 @!p0 s20, s28  }
0x4f: {  	s30 =	simm.s32 @!p0 $0x0;
	s31 =	simm.s32 @!p0 $0xC00;
	s28 =	sadd.s32 @!p0 s2, s20  }
0x50: {  	[tilespmem:s31], [sflag:$0x2] =	stream.linear.gather @!p0 [hbm4b:s28+s30], $0x100, $0x38;
	[tilespmem:$0x12800] =	vst v63  }
0x51: {  	s28 =	sadd.s32 @!p0 s5, s20;
	s31 =	simm.s32 @!p0 $0x1000  }
0x52: {  	[tilespmem:s31], [sflag:$0x2] =	stream.linear.gather @!p0 [hbm4b:s28+s30], $0x100, $0x38;
	[tilespmem:$0x12800] =	vst v63  }
0x53: {  	s28 =	sadd.s32 @!p0 s6, s20;
	s31 =	simm.s32 @!p0 $0x1400  }
0x54: {  	[tilespmem:s31], [sflag:$0x2] =	stream.linear.gather @!p0 [hbm4b:s28+s30], $0x100, $0x38;
	[tilespmem:$0x12800] =	vst v63  }
0x55: {  	s28 =	sor.u32 @!p0 $0x80, s20  }
0x56: {  	s0 =	simm.s32 @!p0 $0xD00;
	s31 =	sadd.s32 @!p0 s2, s28  }
0x57: {  	[tilespmem:s0], [sflag:$0x2] =	stream.linear.gather @!p0 [hbm4b:s31+s30], $0x100, $0x38;
	[tilespmem:$0x12800] =	vst v63  }
0x58: {  	s0 =	sadd.s32 @!p0 s5, s28;
	s31 =	simm.s32 @!p0 $0x1100  }
0x59: {  	[tilespmem:s31], [sflag:$0x2] =	stream.linear.gather @!p0 [hbm4b:s0+s30], $0x100, $0x38;
	[tilespmem:$0x12800] =	vst v63  }
0x5a: {  	s0 =	sadd.s32 @!p0 s6, s28;
	s28 =	simm.s32 @!p0 $0x1500  }
0x5b: {  	[tilespmem:s28], [sflag:$0x2] =	stream.linear.gather @!p0 [hbm4b:s0+s30], $0x100, $0x38;
	[tilespmem:$0x12800] =	vst v63  }
0x5c: {  	s0 =	sor.u32 @!p0 $0x100, s20  }
0x5d: {  	s31 =	simm.s32 @!p0 $0xE00;
	s28 =	sadd.s32 @!p0 s2, s0  }
0x5e: {  	[tilespmem:s31], [sflag:$0x2] =	stream.linear.gather @!p0 [hbm4b:s28+s30], $0x100, $0x38;
	[tilespmem:$0x12800] =	vst v63  }
0x5f: {  	s28 =	sadd.s32 @!p0 s5, s0;
	s31 =	simm.s32 @!p0 $0x1200  }
0x60: {  	[tilespmem:s31], [sflag:$0x2] =	stream.linear.gather @!p0 [hbm4b:s28+s30], $0x100, $0x38;
	[tilespmem:$0x12800] =	vst v63  }
0x61: {  	s0 =	sadd.s32 @!p0 s6, s0;
	s28 =	simm.s32 @!p0 $0x1600  }
0x62: {  	[tilespmem:s28], [sflag:$0x2] =	stream.linear.gather @!p0 [hbm4b:s0+s30], $0x100, $0x38;
	[tilespmem:$0x12800] =	vst v63  }
0x63: {  	s0 =	sor.u32 @!p0 $0x180, s20  }
0x64: {  	s28 =	simm.s32 @!p0 $0xF00;
	s20 =	sadd.s32 @!p0 s2, s0  }
0x65: {  	[tilespmem:s28], [sflag:$0x2] =	stream.linear.gather @!p0 [hbm4b:s20+s30], $0x100, $0x38;
	[tilespmem:$0x12800] =	vst v63  }
0x66: {  	s20 =	sadd.s32 @!p0 s5, s0;
	s28 =	simm.s32 @!p0 $0x1300  }
0x67: {  	[tilespmem:s28], [sflag:$0x2] =	stream.linear.gather @!p0 [hbm4b:s20+s30], $0x100, $0x38;
	[tilespmem:$0x12800] =	vst v63  }
0x68: {  	s0 =	sadd.s32 @!p0 s6, s0;
	s20 =	simm.s32 @!p0 $0x1700  }
0x69: {  	[tilespmem:s20], [sflag:$0x2] =	stream.linear.gather @!p0 [hbm4b:s0+s30], $0x100, $0x38;
	[tilespmem:$0x12800] =	vst v63  }
0x6a: {  	_ =	swait.ge [sflag:s12], $0x100  }
0x6b: {  	[sflag:s12] =	ssyncset.done $0x0  }
0x6c: {  	[sflag:s12] =	ssyncadd.s32 $0xFFFFFF00  }
0x6d: {  	_ =	swait.ge [sflag:s12], $0x100  }
0x6e: {  	[sflag:s12] =	ssyncset.done $0x0  }
0x6f: {  	[sflag:s12] =	ssyncadd.s32 $0xFFFFFF00  }
0x70: {  	_ =	swait.ge [sflag:s12], $0x100  }
0x71: {  	[sflag:s12] =	ssyncset.done $0x0  }
0x72: {  	[sflag:s12] =	ssyncadd.s32 $0xFFFFFF00  }
0x73: {  	_ =	swait.ge [sflag:s12], $0x100  }
0x74: {  	[sflag:s12] =	ssyncset.done $0x0  }
0x75: {  	[sflag:s12] =	ssyncadd.s32 $0xFFFFFF00  }
0x76: {  	_ =	swait.ge [sflag:s12], $0x100  }
0x77: {  	[sflag:s12] =	ssyncset.done $0x0  }
0x78: {  	[sflag:s12] =	ssyncadd.s32 $0xFFFFFF00  }
0x79: {  	_ =	swait.ge [sflag:s12], $0x100  }
0x7a: {  	[sflag:s12] =	ssyncset.done $0x0  }
0x7b: {  	[sflag:s12] =	ssyncadd.s32 $0xFFFFFF00  }
0x7c: {  	_ =	swait.ge [sflag:s12], $0x100  }
0x7d: {  	[sflag:s12] =	ssyncset.done $0x0  }
0x7e: {  	[sflag:s12] =	ssyncadd.s32 $0xFFFFFF00  }
0x7f: {  	_ =	swait.ge [sflag:s12], $0x100  }
0x80: {  	[sflag:s12] =	ssyncset.done $0x0  }
0x81: {  	[sflag:s12] =	ssyncadd.s32 $0xFFFFFF00  }
0x82: {  	_ =	swait.ge [sflag:s12], $0x100  }
0x83: {  	[sflag:s12] =	ssyncset.done $0x0  }
0x84: {  	[sflag:s12] =	ssyncadd.s32 $0xFFFFFF00  }
0x85: {  	_ =	swait.ge [sflag:s12], $0x100  }
0x86: {  	[sflag:s12] =	ssyncset.done $0x0  }
0x87: {  	[sflag:s12] =	ssyncadd.s32 $0xFFFFFF00  }
0x88: {  	_ =	swait.ge [sflag:s12], $0x100  }
0x89: {  	[sflag:s12] =	ssyncset.done $0x0  }
0x8a: {  	[sflag:s12] =	ssyncadd.s32 $0xFFFFFF00  }
0x8b: {  	s30 =	simm.s32 $0x0;
	_ =	swait.ge [sflag:s12], $0x100  }
0x8c: {  	p0 =	seq.s32 s24, $0x0;
	v4 =	vor.u32 s30, v1;
	[sflag:s12] =	ssyncset.done $0x0  }
0x8d: {  	s0 =	simm.s32 @!p0 $0x4;
	[sflag:s12] =	ssyncadd.s32 $0xFFFFFF00  }
0x8e: {  	_ =	swait.ge @!p0 [sflag:s0], $0x8000  }
0x8f: {  	[sflag:s0] =	ssyncset.done @!p0 $0x0  }
0x90: {  	[sflag:s0] =	ssyncadd.s32 @!p0 $0xFFFF8000  }
0x91: {  	v11 =	vld.idx.msk [tilespmem:v4+s3+$0x0], $0xffff  }
0x92: {  	v5 =	vld.idx.msk [tilespmem:v4+s25+$0x0], $0xffff;
	_ =	sdelay $0x1  }
0x93: {  	v8 =	vld.idx.msk [tilespmem:v4+s26+$0x0], $0xffff;
	_ =	sdelay $0x1  }
0x94: {  	v4 =	vor.u32 s30, v0  }
0x95: {  	v6 =	vand.u32 v2, v4;
	v5 =	vadd.s32 $0xC, v5;
	v7 =	vshrl.u32 v11, $0x3  }
0x96: {  	s31 =	simm.s32 $0x4;
	v10 =	vmul.u32 $0xC8000, v7;
	v9 =	vshrl.u32 v5, $0x3;
	v7 =	vor.u32 s30, v3  }
0x97: {  	v4 =	vor.u32 s31, v1;
	v8 =	vshll.u32 v8, $0x3;
	v9 =	vmul.u32 $0xC8000, v9  }
0x98: {  	s28 =	sshll.u32 s24, $0x1;
	s20 =	simm.s32 $0x8;
	v11 =	vand.u32 $0x7, v11;
	v10 =	vadd.s32 v8, v10  }
.LBB2_3:
0x99: {  	p1 =	sne.s32 s20, $0xFC;
	v10 =	vor.u32 v11, v10;
	v8 =	vadd.s32 v8, v9;
	v5 =	vand.u32 $0x7, v5  }
0x9a: {  	v5 =	vor.u32 v5, v8;
	[tilespmem:v6+s13+$0x0] =	vst.idx.msk $0xffff, v10  }
0x9b: {  	[tilespmem:v7+s13+$0x0] =	vst.idx.msk $0xffff, v5  }
0x9c: {  	v11 =	vld.idx.msk [tilespmem:v4+s3+$0x0], $0xffff  }
0x9d: {  	v5 =	vld.idx.msk [tilespmem:v4+s25+$0x0], $0xffff;
	_ =	sdelay $0x1  }
0x9e: {  	v8 =	vld.idx.msk [tilespmem:v4+s26+$0x0], $0xffff;
	_ =	sdelay $0x1  }
0x9f: {  	s30 =	sadd.s32 $0x20, s30  }
.Ltmp4:
0xa0: {  	v4 =	vor.u32 s30, v0;
	(pc) =	sbr.rel @p1 .LBB2_3-.Ltmp4, $4  }
0xa1: {  	v6 =	vand.u32 v2, v4;
	v7 =	vshrl.u32 v11, $0x3;
	v5 =	vadd.s32 $0xC, v5  }
0xa2: {  	v10 =	vmul.u32 $0xC8000, v7;
	v7 =	vor.u32 s30, v3;
	v9 =	vshrl.u32 v5, $0x3  }
0xa3: {  	v4 =	vor.u32 s20, v1;
	v8 =	vshll.u32 v8, $0x3;
	v9 =	vmul.u32 $0xC8000, v9  }
0xa4: {  	s20 =	sadd.s32 $0x4, s20;
	v11 =	vand.u32 $0x7, v11;
	v10 =	vadd.s32 v8, v10  }
0xa5: {  	_ =	sdelay $0x2  }
0xa6: {  	v10 =	vor.u32 v11, v10;
	v8 =	vadd.s32 v8, v9;
	v5 =	vand.u32 $0x7, v5  }
0xa7: {  	v5 =	vor.u32 v5, v8;
	[tilespmem:v6+s13+$0x0] =	vst.idx.msk $0xffff, v10  }
0xa8: {  	[tilespmem:v7+s13+$0x0] =	vst.idx.msk $0xffff, v5  }
0xa9: {  	v5 =	vld.idx.msk [tilespmem:v4+s3+$0x0], $0xffff  }
0xaa: {  	v6 =	vld.idx.msk [tilespmem:v4+s25+$0x0], $0xffff;
	_ =	sdelay $0x1  }
0xab: {  	v4 =	vld.idx.msk [tilespmem:v4+s26+$0x0], $0xffff  }
0xac: {  	s0 =	sadd.s32 $0x20, s30  }
0xad: {  	v60 =	vor.u32 s0, v0  }
0xae: {  	v7 =	vand.u32 v2, v60;
	v6 =	vadd.s32 $0xC, v6;
	v61 =	vshrl.u32 v5, $0x3  }
0xaf: {  	v63 =	vor.u32 s0, v3;
	v8 =	vmul.u32 $0xC8000, v61;
	v62 =	vshrl.u32 v6, $0x3  }
0xb0: {  	v4 =	vshll.u32 v4, $0x3;
	v9 =	vmul.u32 $0xC8000, v62  }
0xb1: {  	v5 =	vand.u32 $0x7, v5;
	v8 =	vadd.s32 v4, v8  }
0xb2: {  	v6 =	vand.u32 $0x7, v6;
	v5 =	vor.u32 v5, v8;
	v4 =	vadd.s32 v4, v9  }
0xb3: {  	p1 =	sgt.u32 @!p0 s29, $0x18;
	v4 =	vor.u32 v6, v4;
	[tilespmem:v7+s13+$0x0] =	vst.idx.msk $0xffff, v5  }
0xb4: {  	s0 =	simm.s32 @!p0 $0x3;
	p1 =	por p0, !p1;
	[tilespmem:v63+s13+$0x0] =	vst.idx.msk $0xffff, v4  }
0xb5: {  	[tilespmem:s14], [sflag:$0x3] =	stream.indirect.gather [hbm4b:s4+s26], $0x10, s13, s26, $0xb8;
	[tilespmem:$0x12800] =	vst v63  }
.Ltmp5:
0xb6: {  	s20 =	sadd.s32 @!p0 s28, s21;
	_ =	swait.ge @!p0 [sflag:s0], $0x8000;
	(pc) =	sbr.rel @!p1 .LBB2_8-.Ltmp5, $4  }
0xb7: {  	s20 =	sshll.u32 @!p0 s20, $0xC;
	[sflag:s0] =	ssyncset.done @!p0 $0x0  }
0xb8: {  	[sflag:s0] =	ssyncadd.s32 @!p0 $0xFFFF8000;
	s0 =	sand.u32 @!p0 $0x1FFFF000, s20  }
0xb9: {  	s29 =	simm.s32 @!p0 $0xA800;
	s20 =	simm.s32 @!p0 $0x0;
	s0 =	sadd.s32 @!p0 s7, s0  }
0xba: {  	[hbm4b:s0+s20] =	stream.linear.scatter @!p0 [tilespmem:s29], [sflag:$0x4], $0x8000, $0x38;
	[tilespmem:$0x12800] =	vst v63  }
0xbb: {  	s0 =	sadd.s32 s28, s22  }
0xbc: {  	s20 =	sshll.u32 s0, $0x7;
	s0 =	sshll.u32 s0, $0x5  }
0xbd: {  	s20 =	sand.u32 $0xFFFFE00, s20;
	s0 =	sand.u32 $0x60, s0  }
0xbe: {  	s0 =	sor.u32 s0, s20  }
0xbf: {  	s20 =	sadd.s32 s2, s0  }
0xc0: {  	[tilespmem:s3], [sflag:$0x1] =	stream.linear.gather [hbm4b:s20+s3], $0x100, $0x38;
	[tilespmem:$0x12800] =	vst v63  }
0xc1: {  	s31 =	sadd.s32 s5, s0  }
0xc2: {  	[tilespmem:s25], [sflag:$0x1] =	stream.linear.gather [hbm4b:s31+s3], $0x100, $0x38;
	[tilespmem:$0x12800] =	vst v63  }
0xc3: {  	s30 =	sadd.s32 s6, s0;
	s20 =	sor.u32 $0x80, s0  }
0xc4: {  	[tilespmem:s26], [sflag:$0x1] =	stream.linear.gather [hbm4b:s30+s3], $0x100, $0x38;
	[tilespmem:$0x12800] =	vst v63  }
0xc5: {  	s29 =	sadd.s32 s2, s20;
	s30 =	simm.s32 $0x100  }
0xc6: {  	[tilespmem:s30], [sflag:$0x1] =	stream.linear.gather [hbm4b:s29+s3], $0x100, $0x38;
	[tilespmem:$0x12800] =	vst v63  }
0xc7: {  	s31 =	simm.s32 $0x500;
	s29 =	sadd.s32 s5, s20  }
0xc8: {  	[tilespmem:s31], [sflag:$0x1] =	stream.linear.gather [hbm4b:s29+s3], $0x100, $0x38;
	[tilespmem:$0x12800] =	vst v63  }
0xc9: {  	s20 =	sadd.s32 s6, s20;
	s29 =	simm.s32 $0x900  }
0xca: {  	[tilespmem:s29], [sflag:$0x1] =	stream.linear.gather [hbm4b:s20+s3], $0x100, $0x38;
	[tilespmem:$0x12800] =	vst v63  }
0xcb: {  	s20 =	sor.u32 $0x100, s0  }
0xcc: {  	s31 =	simm.s32 $0x200;
	s29 =	sadd.s32 s2, s20  }
0xcd: {  	[tilespmem:s31], [sflag:$0x1] =	stream.linear.gather [hbm4b:s29+s3], $0x100, $0x38;
	[tilespmem:$0x12800] =	vst v63  }
0xce: {  	s29 =	sadd.s32 s5, s20;
	s31 =	simm.s32 $0x600  }
0xcf: {  	[tilespmem:s31], [sflag:$0x1] =	stream.linear.gather [hbm4b:s29+s3], $0x100, $0x38;
	[tilespmem:$0x12800] =	vst v63  }
0xd0: {  	s0 =	sor.u32 $0x180, s0;
	s20 =	sadd.s32 s6, s20  }
0xd1: {  	[tilespmem:s1], [sflag:$0x1] =	stream.linear.gather [hbm4b:s20+s3], $0x100, $0x38;
	[tilespmem:$0x12800] =	vst v63  }
0xd2: {  	s31 =	sadd.s32 s2, s0  }
0xd3: {  	[tilespmem:s9], [sflag:$0x1] =	stream.linear.gather [hbm4b:s31+s3], $0x100, $0x38;
	[tilespmem:$0x12800] =	vst v63  }
0xd4: {  	s30 =	sadd.s32 s5, s0  }
0xd5: {  	[tilespmem:s10], [sflag:$0x1] =	stream.linear.gather [hbm4b:s30+s3], $0x100, $0x38;
	[tilespmem:$0x12800] =	vst v63  }
0xd6: {  	s0 =	sadd.s32 s6, s0  }
0xd7: {  	[tilespmem:s11], [sflag:$0x1] =	stream.linear.gather [hbm4b:s0+s3], $0x100, $0x38;
	[tilespmem:$0x12800] =	vst v63  }
0xd8: {  	_ =	swait.ge [sflag:s15], $0x100  }
0xd9: {  	[sflag:s15] =	ssyncset.done $0x0  }
0xda: {  	[sflag:s15] =	ssyncadd.s32 $0xFFFFFF00  }
0xdb: {  	_ =	swait.ge [sflag:s15], $0x100  }
0xdc: {  	[sflag:s15] =	ssyncset.done $0x0  }
0xdd: {  	[sflag:s15] =	ssyncadd.s32 $0xFFFFFF00  }
0xde: {  	_ =	swait.ge [sflag:s15], $0x100  }
0xdf: {  	[sflag:s15] =	ssyncset.done $0x0  }
0xe0: {  	[sflag:s15] =	ssyncadd.s32 $0xFFFFFF00  }
0xe1: {  	_ =	swait.ge [sflag:s15], $0x100  }
0xe2: {  	[sflag:s15] =	ssyncset.done $0x0  }
0xe3: {  	[sflag:s15] =	ssyncadd.s32 $0xFFFFFF00  }
0xe4: {  	_ =	swait.ge [sflag:s15], $0x100  }
0xe5: {  	[sflag:s15] =	ssyncset.done $0x0  }
0xe6: {  	[sflag:s15] =	ssyncadd.s32 $0xFFFFFF00  }
0xe7: {  	_ =	swait.ge [sflag:s15], $0x100  }
0xe8: {  	[sflag:s15] =	ssyncset.done $0x0  }
0xe9: {  	[sflag:s15] =	ssyncadd.s32 $0xFFFFFF00  }
0xea: {  	_ =	swait.ge [sflag:s15], $0x100  }
0xeb: {  	[sflag:s15] =	ssyncset.done $0x0  }
0xec: {  	[sflag:s15] =	ssyncadd.s32 $0xFFFFFF00  }
0xed: {  	_ =	swait.ge [sflag:s15], $0x100  }
0xee: {  	[sflag:s15] =	ssyncset.done $0x0  }
0xef: {  	[sflag:s15] =	ssyncadd.s32 $0xFFFFFF00  }
0xf0: {  	_ =	swait.ge [sflag:s15], $0x100  }
0xf1: {  	[sflag:s15] =	ssyncset.done $0x0  }
0xf2: {  	[sflag:s15] =	ssyncadd.s32 $0xFFFFFF00  }
0xf3: {  	_ =	swait.ge [sflag:s15], $0x100  }
0xf4: {  	[sflag:s15] =	ssyncset.done $0x0  }
0xf5: {  	[sflag:s15] =	ssyncadd.s32 $0xFFFFFF00  }
0xf6: {  	_ =	swait.ge [sflag:s15], $0x100  }
0xf7: {  	[sflag:s15] =	ssyncset.done $0x0  }
0xf8: {  	[sflag:s15] =	ssyncadd.s32 $0xFFFFFF00  }
0xf9: {  	s29 =	simm.s32 $0x0;
	_ =	swait.ge [sflag:s15], $0x100  }
0xfa: {  	v4 =	vor.u32 s29, v1;
	[sflag:s15] =	ssyncset.done $0x0  }
0xfb: {  	s0 =	simm.s32 @!p0 $0x4;
	[sflag:s15] =	ssyncadd.s32 $0xFFFFFF00  }
0xfc: {  	_ =	swait.ge @!p0 [sflag:s0], $0x8000  }
0xfd: {  	[sflag:s0] =	ssyncset.done @!p0 $0x0  }
0xfe: {  	[sflag:s0] =	ssyncadd.s32 @!p0 $0xFFFF8000  }
0xff: {  	v11 =	vld.idx.msk [tilespmem:v4+s17+$0x0], $0xffff  }
0x100: {  	v5 =	vld.idx.msk [tilespmem:v4+s18+$0x0], $0xffff;
	_ =	sdelay $0x1  }
0x101: {  	v8 =	vld.idx.msk [tilespmem:v4+s16+$0x0], $0xffff;
	_ =	sdelay $0x1  }
0x102: {  	v4 =	vor.u32 s29, v0  }
0x103: {  	v6 =	vand.u32 v2, v4;
	v5 =	vadd.s32 $0xC, v5;
	v7 =	vshrl.u32 v11, $0x3  }
0x104: {  	s31 =	simm.s32 $0x4;
	v10 =	vmul.u32 $0xC8000, v7;
	v9 =	vshrl.u32 v5, $0x3;
	v7 =	vor.u32 s29, v3  }
0x105: {  	v4 =	vor.u32 s31, v1;
	v8 =	vshll.u32 v8, $0x3;
	v9 =	vmul.u32 $0xC8000, v9  }
0x106: {  	s20 =	simm.s32 $0x8;
	v11 =	vand.u32 $0x7, v11;
	v10 =	vadd.s32 v8, v10  }
.LBB2_6:
0x107: {  	p0 =	sne.s32 s20, $0xFC;
	v10 =	vor.u32 v11, v10;
	v8 =	vadd.s32 v8, v9;
	v5 =	vand.u32 $0x7, v5  }
0x108: {  	v5 =	vor.u32 v5, v8;
	[tilespmem:v6+s19+$0x0] =	vst.idx.msk $0xffff, v10  }
0x109: {  	[tilespmem:v7+s19+$0x0] =	vst.idx.msk $0xffff, v5  }
0x10a: {  	v11 =	vld.idx.msk [tilespmem:v4+s17+$0x0], $0xffff  }
0x10b: {  	v5 =	vld.idx.msk [tilespmem:v4+s18+$0x0], $0xffff;
	_ =	sdelay $0x1  }
0x10c: {  	v8 =	vld.idx.msk [tilespmem:v4+s16+$0x0], $0xffff;
	_ =	sdelay $0x1  }
0x10d: {  	s29 =	sadd.s32 $0x20, s29  }
.Ltmp6:
0x10e: {  	v4 =	vor.u32 s29, v0;
	(pc) =	sbr.rel @p0 .LBB2_6-.Ltmp6, $4  }
0x10f: {  	v6 =	vand.u32 v2, v4;
	v7 =	vshrl.u32 v11, $0x3;
	v5 =	vadd.s32 $0xC, v5  }
0x110: {  	v10 =	vmul.u32 $0xC8000, v7;
	v7 =	vor.u32 s29, v3;
	v9 =	vshrl.u32 v5, $0x3  }
0x111: {  	v4 =	vor.u32 s20, v1;
	v8 =	vshll.u32 v8, $0x3;
	v9 =	vmul.u32 $0xC8000, v9  }
0x112: {  	s20 =	sadd.s32 $0x4, s20;
	v11 =	vand.u32 $0x7, v11;
	v10 =	vadd.s32 v8, v10  }
0x113: {  	_ =	sdelay $0x2  }
0x114: {  	v10 =	vor.u32 v11, v10;
	v8 =	vadd.s32 v8, v9;
	v5 =	vand.u32 $0x7, v5  }
0x115: {  	v5 =	vor.u32 v5, v8;
	[tilespmem:v6+s19+$0x0] =	vst.idx.msk $0xffff, v10  }
0x116: {  	[tilespmem:v7+s19+$0x0] =	vst.idx.msk $0xffff, v5  }
0x117: {  	v5 =	vld.idx.msk [tilespmem:v4+s17+$0x0], $0xffff  }
0x118: {  	v6 =	vld.idx.msk [tilespmem:v4+s18+$0x0], $0xffff;
	_ =	sdelay $0x1  }
0x119: {  	v4 =	vld.idx.msk [tilespmem:v4+s16+$0x0], $0xffff  }
0x11a: {  	s0 =	sadd.s32 $0x20, s29  }
0x11b: {  	v60 =	vor.u32 s0, v0  }
0x11c: {  	v7 =	vand.u32 v2, v60;
	v6 =	vadd.s32 $0xC, v6;
	v61 =	vshrl.u32 v5, $0x3  }
0x11d: {  	v63 =	vor.u32 s0, v3;
	v8 =	vmul.u32 $0xC8000, v61;
	v62 =	vshrl.u32 v6, $0x3  }
0x11e: {  	v4 =	vshll.u32 v4, $0x3;
	v9 =	vmul.u32 $0xC8000, v62  }
0x11f: {  	v5 =	vand.u32 $0x7, v5;
	v8 =	vadd.s32 v4, v8  }
0x120: {  	v6 =	vand.u32 $0x7, v6;
	v5 =	vor.u32 v5, v8;
	v4 =	vadd.s32 v4, v9  }
0x121: {  	v4 =	vor.u32 v6, v4;
	[tilespmem:v7+s19+$0x0] =	vst.idx.msk $0xffff, v5  }
0x122: {  	s30 =	simm.s32 $0xA800;
	[tilespmem:v63+s19+$0x0] =	vst.idx.msk $0xffff, v4  }
0x123: {  	[tilespmem:s30], [sflag:$0x3] =	stream.indirect.gather [hbm4b:s4+s26], $0x10, s19, s26, $0xb8;
	[tilespmem:$0x12800] =	vst v63  }
.Ltmp7:
0x124: {  	_ = 	snop;
	(pc) =	sbr.rel .LBB2_8-.Ltmp7, $4  }
0x125: {  	s31 =	sadd.s32 s8, s28;
	_ =	swait.ge [sflag:s23], $0x8000  }
0x126: {  	s0 =	sshll.u32 s31, $0xC;
	[sflag:s23] =	ssyncset.done $0x0  }
0x127: {  	s0 =	sadd.s32 s7, s0;
	[sflag:s23] =	ssyncadd.s32 $0xFFFF8000  }
0x128: {  	[hbm4b:s0+s3] =	stream.linear.scatter [tilespmem:s14], [sflag:$0x4], $0x8000, $0x38;
	[tilespmem:$0x12800] =	vst v63  }
.LBB2_10:
0x129: {  	_ =	sfence.sel $0x180000  }
0x12a: {  	[bflag:$0x0] =	sbarrier.arrive $0xFFFF  }
0x12b: {  	_ =	strace $0x90000047  }
0x12c: {  	s0 =	stileid.u32;
	[bflag:$0x2] =	sbarrier.arrive $0xFFFF  }
0x12d: {  	p0 =	sne.s32 s0, $0x0;
	s0 =	rddreg [dreg:$0x2]  }
0x12e: {  	s0 =	sadd.s32 @!p0 $0x100000, s0  }
0x12f: {  	[sflag:s0] =	ssyncadd.tile.s32 @!p0 $0x1;
	_ =	shalt  }
.Lfunc_end2:
_tile_overlayer_lowered:
.L_overlay_start_2:
0x130: {  	(tag) =	ssettag $0x2  }
0x131: {  	s0 =	rddreg [dreg:$0x0];
	s2 =	stileid.u32  }
0x132: {  	s1 =	rddreg [dreg:$0x1];
	p0 =	sne.s32 s2, $0x0  }
0x133: {  	s3 =	rddreg [dreg:$0x2];
	[bflag:$0x3] =	sbarrier.arrive $0xFFFF;
	s2 =	simm.s32 @!p0 $0x1C05  }
0x134: {  	[timem:s3], [sflag:s2] =	dma.local @!p0 [hbm:s0], s1  }
0x135: {  	s0 =	simm.s32 @!p0 $0x5  }
0x136: {  	_ =	swait.ge @!p0 [sflag:s0], s1  }
0x137: {  	s1 =	ssub.s32 @!p0 $0x0, s1;
	[sflag:s0] =	ssyncset.done @!p0 $0x0  }
0x138: {  	[sflag:s0] =	ssyncadd.s32 @!p0 s1  }
0x139: {  	[bflag:$0x3] =	sbarrier.arrive $0xFFFF  }
0x13a: {  	_ =	shalt  }

</sc_bundles>
